<compile_context>
chip_gen: v7x
topology: tpu7x:2x2x1
jax: 0.10.2.dev20260603
libtpu: 0.0.44.dev20260713+nightly
codegen_flags: <defaults>
</compile_context>

<pallas_src>
import functools

import jax
import jax.numpy as jnp
from jax import lax
from jax.experimental import pallas as pl
from jax.experimental.pallas import tpu as pltpu
from jax.experimental.pallas import tpu_sc as plsc

_NC = 2
_NS = 16
_NW = _NC * _NS

_G = 128
_Q = 2
_K = 5
_RM = 2048


def _sc_gather_packed(ids_2d, E):
    n_chunks, g = ids_2d.shape
    assert g == _G
    v, d = E.shape
    assert n_chunks % (_NW * _K) == 0
    cpw = n_chunks // _NW
    n_blk = cpw // _K
    half_rows = n_chunks * _G // 2

    mesh = plsc.VectorSubcoreMesh(
        core_axis_name="c", subcore_axis_name="s",
        num_cores=_NC, num_subcores=_NS)

    @functools.partial(
        pl.kernel,
        out_type=jax.ShapeDtypeStruct((half_rows, 2 * d), jnp.float32),
        mesh=mesh,
        scratch_types=[
            pltpu.VMEM((cpw, _G), jnp.int32),
            pltpu.VMEM((_K * _G, d), jnp.float32),
            pltpu.SemaphoreType.DMA,
        ],
        compiler_params=pltpu.CompilerParams(use_tc_tiling_on_sc=False),
    )
    def gather_kernel(ids_hbm, table_hbm, emb_hbm, idx_v, rows_v, sem):
        c = lax.axis_index("c")
        s = lax.axis_index("s")
        chunk_base = (c * _NS + s) * cpw
        row_base = s * cpw * _G
        pltpu.sync_copy(ids_hbm.at[pl.ds(chunk_base, cpw)], idx_v)

        def body(blk, carry):
            descs = []
            for k in range(_K):
                descs.append(pltpu.async_copy(
                    table_hbm.at[idx_v.at[blk * _K + k]],
                    rows_v.at[pl.ds(k * _G, _G)], sem))
            for dsc in descs:
                dsc.wait()
            r0 = row_base + blk * _K * _G

            @pl.when(c == 0)
            def _():
                pltpu.sync_copy(
                    rows_v, emb_hbm.at[pl.ds(r0, _K * _G), pl.ds(0, d)])

            @pl.when(c == 1)
            def _():
                pltpu.sync_copy(
                    rows_v, emb_hbm.at[pl.ds(r0, _K * _G), pl.ds(d, d)])

            return carry

        lax.fori_loop(0, n_blk, body, 0)

    return gather_kernel(ids_2d, E)


def _tc_project_chunk(out_prev, emb2, p_wt, chunk_idx, num_chunks):
    nh, dp = emb2.shape
    d = dp // 2
    m = p_wt.shape[1]
    assert nh % _RM == 0
    out_shape = jax.ShapeDtypeStruct((2 * num_chunks, nh, m), jnp.float32)

    emb_spec = pl.BlockSpec((_RM, dp), lambda i: (i, 0))
    w_spec = pl.BlockSpec((d, m), lambda i: (0, 0))
    out_spec = pl.BlockSpec(
        (2, _RM, m), lambda i, _c=chunk_idx: (_c, i, 0))

    if out_prev is None:
        def mm_first(emb_ref, w_ref, out_ref):
            a = emb_ref[...]
            w = w_ref[...]
            out_ref[0] = jnp.dot(a[:, :d], w,
                                 preferred_element_type=jnp.float32)
            out_ref[1] = jnp.dot(a[:, d:], w,
                                 preferred_element_type=jnp.float32)

        return pl.pallas_call(
            mm_first,
            grid=(nh // _RM,),
            in_specs=[emb_spec, w_spec],
            out_specs=out_spec,
            out_shape=out_shape,
        )(emb2, p_wt)

    def mm_next(carrier_ref, emb_ref, w_ref, out_ref):
        del carrier_ref
        a = emb_ref[...]
        w = w_ref[...]
        out_ref[0] = jnp.dot(a[:, :d], w, preferred_element_type=jnp.float32)
        out_ref[1] = jnp.dot(a[:, d:], w, preferred_element_type=jnp.float32)

    return pl.pallas_call(
        mm_next,
        grid=(nh // _RM,),
        in_specs=[
            pl.BlockSpec(memory_space=pl.ANY),
            emb_spec, w_spec,
        ],
        out_specs=out_spec,
        out_shape=out_shape,
        input_output_aliases={0: 0},
    )(out_prev, emb2, p_wt)


def kernel(token_ids, E, P_w):
    b, l = token_ids.shape
    v, d = E.shape
    m = P_w.shape[0]
    n = b * l
    assert n % (_Q * _G) == 0

    ids_2d = token_ids.reshape(n // _G, _G).astype(jnp.int32)
    p_wt = P_w.T
    rows_per_chunk = n // _Q // _G

    out = None
    for q in range(_Q):
        ids_q = lax.slice_in_dim(ids_2d, q * rows_per_chunk,
                                 (q + 1) * rows_per_chunk, axis=0)
        emb2 = _sc_gather_packed(ids_q, E)
        out = _tc_project_chunk(out, emb2, p_wt, q, _Q)

    return out.reshape(b, l, m)

# --- scband reference (transcript-rebuilt; emitter-appended) ---
"""Pipeline reference for scband-factorized-embedding-v2-20572893348599 (READ-ONLY COPY).

The authoritative reference and input builder live on the scoring server;
editing this copy changes nothing except your own understanding.
"""

import jax, jax.numpy as jnp
import numpy as np

VOCAB = 1000000
D_EMBED = 64
D_MODEL = 768
B = 4096
L = 200


def setup_inputs(seed: int = 0) -> dict:
    key = jax.random.key(seed)
    k_ids, k_E, k_P = jax.random.split(key, 3)
    token_ids = jax.random.randint(k_ids, (B, L), 0, VOCAB, dtype=jnp.int64 if jax.config.jax_enable_x64 else jnp.int32)
    # nn.Embedding init: N(0, 1)
    E = jax.random.normal(k_E, (VOCAB, D_EMBED), dtype=jnp.float32)
    # nn.Linear weight shape (d_model, d_embed), kaiming-uniform-ish scale
    bound = 1.0 / np.sqrt(D_EMBED)
    P_w = jax.random.uniform(k_P, (D_MODEL, D_EMBED), minval=-bound, maxval=bound, dtype=jnp.float32)
    return {"token_ids": token_ids, "E": E, "P_w": P_w}


def reference(token_ids, E, P_w):
    # gather rows from embedding table (SparseCore-friendly gather)
    emb = jnp.take(E, token_ids, axis=0)  # [B, L, d_embed]
    # linear projection without bias: x @ W^T
    out = jnp.einsum('bld,md->blm', emb, P_w)  # [B, L, d_model]
    return out

if __name__ == "__main__":
    import jax
    _d = setup_inputs()
    print(jax.jit(kernel)(*tuple(_d.values())))

</pallas_src>

<mosaic_0001>
#map = affine_map<(d0, d1) -> (0, 0)>
module attributes {stable_mosaic.version = 14 : i64} {
  func.func @gather_kernel(%arg0: i32, %arg1: i32, %arg2: memref<3200x128xi32, #tpu.memory_space<hbm>>, %arg3: memref<1000000x64xf32, #tpu.memory_space<hbm>>, %arg4: memref<204800x128xf32, #tpu.memory_space<hbm>>, %arg5: memref<100x128xi32, #tpu.memory_space<vmem>>, %arg6: memref<640x64xf32, #tpu.memory_space<vmem>>, %arg7: memref<!tpu.dma_semaphore, #tpu.memory_space<semaphore_mem>>) attributes {dimension_semantics = [#tpu.dimension_semantics<core_parallel>, #tpu.dimension_semantics<subcore_parallel>], iteration_bounds = array<i64: 2, 16>, scalar_prefetch = 0 : i64, scratch_operands = 3 : i64, tpu.core_type = #tpu.core_type<sc_vector_subcore>, window_params = [{transform_indices = #map}, {transform_indices = #map}, {transform_indices = #map}]} {
    %mul3A = arith.constant 16 : i32
    %mul3A_0 = arith.muli %arg0, %mul3A : i32
    %add3A = arith.addi %mul3A_0, %arg1 : i32
    %mul3A_1 = arith.constant 100 : i32
    %mul3A_2 = arith.muli %add3A, %mul3A_1 : i32
    %mul3A_3 = arith.constant 100 : i32
    %mul3A_4 = arith.muli %arg1, %mul3A_3 : i32
    %mul3A_5 = arith.constant 128 : i32
    %mul3A_6 = arith.muli %mul3A_4, %mul3A_5 : i32
    "tpu.region"() ({
      %run_scoped3A = tpu.sem_alloc : memref<!tpu.dma_semaphore, #tpu.memory_space<semaphore_mem>>
      %dma_start3A = arith.constant 0 : i32
      %dma_start3A_12 = tpu.memref_slice %arg2[%mul3A_2, %dma_start3A] : memref<3200x128xi32, #tpu.memory_space<hbm>> -> memref<100x128xi32, #tpu.memory_space<hbm>>
      %dma_start3A_13 = arith.constant 0 : i32
      %dma_start3A_14 = tpu.memref_slice %arg2[%mul3A_2, %dma_start3A_13] : memref<3200x128xi32, #tpu.memory_space<hbm>> -> memref<100x128xi32, #tpu.memory_space<hbm>>
      tpu.enqueue_dma source(%dma_start3A_14 : memref<100x128xi32, #tpu.memory_space<hbm>>) target(%arg5 : memref<100x128xi32, #tpu.memory_space<vmem>>) target_semaphore(%run_scoped3A : memref<!tpu.dma_semaphore, #tpu.memory_space<semaphore_mem>>)
      %dma_wait3A = arith.constant 0 : i32
      %dma_wait3A_15 = tpu.memref_slice %arg2[%mul3A_2, %dma_wait3A] : memref<3200x128xi32, #tpu.memory_space<hbm>> -> memref<100x128xi32, #tpu.memory_space<hbm>>
      %dma_wait3A_16 = arith.constant 0 : i32
      %dma_wait3A_17 = tpu.memref_slice %arg2[%mul3A_2, %dma_wait3A_16] : memref<3200x128xi32, #tpu.memory_space<hbm>> -> memref<100x128xi32, #tpu.memory_space<hbm>>
      tpu.wait_dma2 semaphore(%run_scoped3A : memref<!tpu.dma_semaphore, #tpu.memory_space<semaphore_mem>>) src(%dma_wait3A_17 : memref<100x128xi32, #tpu.memory_space<hbm>>) dst(%arg5 : memref<100x128xi32, #tpu.memory_space<vmem>>)
      tpu.yield
    }) : () -> ()
    %scan3A = arith.constant 0 : i32
    %scan3A_7 = arith.constant 0 : i32
    %scan3A_8 = arith.constant 20 : i32
    %scan3A_9 = arith.addi %scan3A_7, %scan3A_8 : i32
    %scan3A_10 = arith.constant 1 : i32
    scf.for %scan3A_12 = %scan3A_7 to %scan3A_9 step %scan3A_10  : i32 {
      %mul3A_13 = arith.constant 5 : i32
      %mul3A_14 = arith.muli %scan3A_12, %mul3A_13 : i32
      %add3A_15 = arith.constant 0 : i32
      %add3A_16 = arith.addi %mul3A_14, %add3A_15 : i32
      %dma_start3A = arith.constant 0 : i32
      %dma_start3A_17 = arith.constant 0 : i32
      %dma_start3A_18 = tpu.memref_slice %arg6[%dma_start3A, %dma_start3A_17] : memref<640x64xf32, #tpu.memory_space<vmem>> -> memref<128x64xf32, #tpu.memory_space<vmem>>
      %dma_start3A_19 = arith.constant 0 : i32
      %dma_start3A_20 = tpu.memref_slice %arg5[%add3A_16, %dma_start3A_19] : memref<100x128xi32, #tpu.memory_space<vmem>> -> memref<1x128xi32, #tpu.memory_space<vmem>>
      %dma_start3A_21 = tpu.memref_squeeze %dma_start3A_20 : memref<1x128xi32, #tpu.memory_space<vmem>> -> memref<128xi32, #tpu.memory_space<vmem>>
      %dma_start3A_22 = arith.constant 0 : i32
      %dma_start3A_23 = arith.constant 0 : i32
      %dma_start3A_24 = tpu.memref_slice %arg3[%dma_start3A_22, %dma_start3A_23] : memref<1000000x64xf32, #tpu.memory_space<hbm>> -> memref<1000000x64xf32, #tpu.memory_space<hbm>>
      tpu.enqueue_indirect_dma source(%dma_start3A_24 : memref<1000000x64xf32, #tpu.memory_space<hbm>>) target(%dma_start3A_18 : memref<128x64xf32, #tpu.memory_space<vmem>>) offsets(%dma_start3A_21 : memref<128xi32, #tpu.memory_space<vmem>>) semaphore(%arg7 : memref<!tpu.dma_semaphore, #tpu.memory_space<semaphore_mem>>)
      %mul3A_25 = arith.constant 5 : i32
      %mul3A_26 = arith.muli %scan3A_12, %mul3A_25 : i32
      %add3A_27 = arith.constant 1 : i32
      %add3A_28 = arith.addi %mul3A_26, %add3A_27 : i32
      %dma_start3A_29 = arith.constant 128 : i32
      %dma_start3A_30 = arith.constant 0 : i32
      %dma_start3A_31 = tpu.memref_slice %arg6[%dma_start3A_29, %dma_start3A_30] : memref<640x64xf32, #tpu.memory_space<vmem>> -> memref<128x64xf32, #tpu.memory_space<vmem>>
      %dma_start3A_32 = arith.constant 0 : i32
      %dma_start3A_33 = tpu.memref_slice %arg5[%add3A_28, %dma_start3A_32] : memref<100x128xi32, #tpu.memory_space<vmem>> -> memref<1x128xi32, #tpu.memory_space<vmem>>
      %dma_start3A_34 = tpu.memref_squeeze %dma_start3A_33 : memref<1x128xi32, #tpu.memory_space<vmem>> -> memref<128xi32, #tpu.memory_space<vmem>>
      %dma_start3A_35 = arith.constant 0 : i32
      %dma_start3A_36 = arith.constant 0 : i32
      %dma_start3A_37 = tpu.memref_slice %arg3[%dma_start3A_35, %dma_start3A_36] : memref<1000000x64xf32, #tpu.memory_space<hbm>> -> memref<1000000x64xf32, #tpu.memory_space<hbm>>
      tpu.enqueue_indirect_dma source(%dma_start3A_37 : memref<1000000x64xf32, #tpu.memory_space<hbm>>) target(%dma_start3A_31 : memref<128x64xf32, #tpu.memory_space<vmem>>) offsets(%dma_start3A_34 : memref<128xi32, #tpu.memory_space<vmem>>) semaphore(%arg7 : memref<!tpu.dma_semaphore, #tpu.memory_space<semaphore_mem>>)
      %mul3A_38 = arith.constant 5 : i32
      %mul3A_39 = arith.muli %scan3A_12, %mul3A_38 : i32
      %add3A_40 = arith.constant 2 : i32
      %add3A_41 = arith.addi %mul3A_39, %add3A_40 : i32
      %dma_start3A_42 = arith.constant 256 : i32
      %dma_start3A_43 = arith.constant 0 : i32
      %dma_start3A_44 = tpu.memref_slice %arg6[%dma_start3A_42, %dma_start3A_43] : memref<640x64xf32, #tpu.memory_space<vmem>> -> memref<128x64xf32, #tpu.memory_space<vmem>>
      %dma_start3A_45 = arith.constant 0 : i32
      %dma_start3A_46 = tpu.memref_slice %arg5[%add3A_41, %dma_start3A_45] : memref<100x128xi32, #tpu.memory_space<vmem>> -> memref<1x128xi32, #tpu.memory_space<vmem>>
      %dma_start3A_47 = tpu.memref_squeeze %dma_start3A_46 : memref<1x128xi32, #tpu.memory_space<vmem>> -> memref<128xi32, #tpu.memory_space<vmem>>
      %dma_start3A_48 = arith.constant 0 : i32
      %dma_start3A_49 = arith.constant 0 : i32
      %dma_start3A_50 = tpu.memref_slice %arg3[%dma_start3A_48, %dma_start3A_49] : memref<1000000x64xf32, #tpu.memory_space<hbm>> -> memref<1000000x64xf32, #tpu.memory_space<hbm>>
      tpu.enqueue_indirect_dma source(%dma_start3A_50 : memref<1000000x64xf32, #tpu.memory_space<hbm>>) target(%dma_start3A_44 : memref<128x64xf32, #tpu.memory_space<vmem>>) offsets(%dma_start3A_47 : memref<128xi32, #tpu.memory_space<vmem>>) semaphore(%arg7 : memref<!tpu.dma_semaphore, #tpu.memory_space<semaphore_mem>>)
      %mul3A_51 = arith.constant 5 : i32
      %mul3A_52 = arith.muli %scan3A_12, %mul3A_51 : i32
      %add3A_53 = arith.constant 3 : i32
      %add3A_54 = arith.addi %mul3A_52, %add3A_53 : i32
      %dma_start3A_55 = arith.constant 384 : i32
      %dma_start3A_56 = arith.constant 0 : i32
      %dma_start3A_57 = tpu.memref_slice %arg6[%dma_start3A_55, %dma_start3A_56] : memref<640x64xf32, #tpu.memory_space<vmem>> -> memref<128x64xf32, #tpu.memory_space<vmem>>
      %dma_start3A_58 = arith.constant 0 : i32
      %dma_start3A_59 = tpu.memref_slice %arg5[%add3A_54, %dma_start3A_58] : memref<100x128xi32, #tpu.memory_space<vmem>> -> memref<1x128xi32, #tpu.memory_space<vmem>>
      %dma_start3A_60 = tpu.memref_squeeze %dma_start3A_59 : memref<1x128xi32, #tpu.memory_space<vmem>> -> memref<128xi32, #tpu.memory_space<vmem>>
      %dma_start3A_61 = arith.constant 0 : i32
      %dma_start3A_62 = arith.constant 0 : i32
      %dma_start3A_63 = tpu.memref_slice %arg3[%dma_start3A_61, %dma_start3A_62] : memref<1000000x64xf32, #tpu.memory_space<hbm>> -> memref<1000000x64xf32, #tpu.memory_space<hbm>>
      tpu.enqueue_indirect_dma source(%dma_start3A_63 : memref<1000000x64xf32, #tpu.memory_space<hbm>>) target(%dma_start3A_57 : memref<128x64xf32, #tpu.memory_space<vmem>>) offsets(%dma_start3A_60 : memref<128xi32, #tpu.memory_space<vmem>>) semaphore(%arg7 : memref<!tpu.dma_semaphore, #tpu.memory_space<semaphore_mem>>)
      %mul3A_64 = arith.constant 5 : i32
      %mul3A_65 = arith.muli %scan3A_12, %mul3A_64 : i32
      %add3A_66 = arith.constant 4 : i32
      %add3A_67 = arith.addi %mul3A_65, %add3A_66 : i32
      %dma_start3A_68 = arith.constant 512 : i32
      %dma_start3A_69 = arith.constant 0 : i32
      %dma_start3A_70 = tpu.memref_slice %arg6[%dma_start3A_68, %dma_start3A_69] : memref<640x64xf32, #tpu.memory_space<vmem>> -> memref<128x64xf32, #tpu.memory_space<vmem>>
      %dma_start3A_71 = arith.constant 0 : i32
      %dma_start3A_72 = tpu.memref_slice %arg5[%add3A_67, %dma_start3A_71] : memref<100x128xi32, #tpu.memory_space<vmem>> -> memref<1x128xi32, #tpu.memory_space<vmem>>
      %dma_start3A_73 = tpu.memref_squeeze %dma_start3A_72 : memref<1x128xi32, #tpu.memory_space<vmem>> -> memref<128xi32, #tpu.memory_space<vmem>>
      %dma_start3A_74 = arith.constant 0 : i32
      %dma_start3A_75 = arith.constant 0 : i32
      %dma_start3A_76 = tpu.memref_slice %arg3[%dma_start3A_74, %dma_start3A_75] : memref<1000000x64xf32, #tpu.memory_space<hbm>> -> memref<1000000x64xf32, #tpu.memory_space<hbm>>
      tpu.enqueue_indirect_dma source(%dma_start3A_76 : memref<1000000x64xf32, #tpu.memory_space<hbm>>) target(%dma_start3A_70 : memref<128x64xf32, #tpu.memory_space<vmem>>) offsets(%dma_start3A_73 : memref<128xi32, #tpu.memory_space<vmem>>) semaphore(%arg7 : memref<!tpu.dma_semaphore, #tpu.memory_space<semaphore_mem>>)
      %dma_wait3A = arith.constant 0 : i32
      %dma_wait3A_77 = arith.constant 0 : i32
      %dma_wait3A_78 = tpu.memref_slice %arg6[%dma_wait3A, %dma_wait3A_77] : memref<640x64xf32, #tpu.memory_space<vmem>> -> memref<128x64xf32, #tpu.memory_space<vmem>>
      %dma_wait3A_79 = arith.constant 0 : i32
      %dma_wait3A_80 = tpu.memref_slice %arg5[%add3A_16, %dma_wait3A_79] : memref<100x128xi32, #tpu.memory_space<vmem>> -> memref<1x128xi32, #tpu.memory_space<vmem>>
      %dma_wait3A_81 = tpu.memref_squeeze %dma_wait3A_80 : memref<1x128xi32, #tpu.memory_space<vmem>> -> memref<128xi32, #tpu.memory_space<vmem>>
      %dma_wait3A_82 = arith.constant 0 : i32
      %dma_wait3A_83 = arith.constant 0 : i32
      %dma_wait3A_84 = tpu.memref_slice %arg3[%dma_wait3A_82, %dma_wait3A_83] : memref<1000000x64xf32, #tpu.memory_space<hbm>> -> memref<1000000x64xf32, #tpu.memory_space<hbm>>
      tpu.wait_indirect_dma semaphore(%arg7 : memref<!tpu.dma_semaphore, #tpu.memory_space<semaphore_mem>>) src(%dma_wait3A_84 : memref<1000000x64xf32, #tpu.memory_space<hbm>>) dst(%dma_wait3A_78 : memref<128x64xf32, #tpu.memory_space<vmem>>)
      %dma_wait3A_85 = arith.constant 128 : i32
      %dma_wait3A_86 = arith.constant 0 : i32
      %dma_wait3A_87 = tpu.memref_slice %arg6[%dma_wait3A_85, %dma_wait3A_86] : memref<640x64xf32, #tpu.memory_space<vmem>> -> memref<128x64xf32, #tpu.memory_space<vmem>>
      %dma_wait3A_88 = arith.constant 0 : i32
      %dma_wait3A_89 = tpu.memref_slice %arg5[%add3A_28, %dma_wait3A_88] : memref<100x128xi32, #tpu.memory_space<vmem>> -> memref<1x128xi32, #tpu.memory_space<vmem>>
      %dma_wait3A_90 = tpu.memref_squeeze %dma_wait3A_89 : memref<1x128xi32, #tpu.memory_space<vmem>> -> memref<128xi32, #tpu.memory_space<vmem>>
      %dma_wait3A_91 = arith.constant 0 : i32
      %dma_wait3A_92 = arith.constant 0 : i32
      %dma_wait3A_93 = tpu.memref_slice %arg3[%dma_wait3A_91, %dma_wait3A_92] : memref<1000000x64xf32, #tpu.memory_space<hbm>> -> memref<1000000x64xf32, #tpu.memory_space<hbm>>
      tpu.wait_indirect_dma semaphore(%arg7 : memref<!tpu.dma_semaphore, #tpu.memory_space<semaphore_mem>>) src(%dma_wait3A_93 : memref<1000000x64xf32, #tpu.memory_space<hbm>>) dst(%dma_wait3A_87 : memref<128x64xf32, #tpu.memory_space<vmem>>)
      %dma_wait3A_94 = arith.constant 256 : i32
      %dma_wait3A_95 = arith.constant 0 : i32
      %dma_wait3A_96 = tpu.memref_slice %arg6[%dma_wait3A_94, %dma_wait3A_95] : memref<640x64xf32, #tpu.memory_space<vmem>> -> memref<128x64xf32, #tpu.memory_space<vmem>>
      %dma_wait3A_97 = arith.constant 0 : i32
      %dma_wait3A_98 = tpu.memref_slice %arg5[%add3A_41, %dma_wait3A_97] : memref<100x128xi32, #tpu.memory_space<vmem>> -> memref<1x128xi32, #tpu.memory_space<vmem>>
      %dma_wait3A_99 = tpu.memref_squeeze %dma_wait3A_98 : memref<1x128xi32, #tpu.memory_space<vmem>> -> memref<128xi32, #tpu.memory_space<vmem>>
      %dma_wait3A_100 = arith.constant 0 : i32
      %dma_wait3A_101 = arith.constant 0 : i32
      %dma_wait3A_102 = tpu.memref_slice %arg3[%dma_wait3A_100, %dma_wait3A_101] : memref<1000000x64xf32, #tpu.memory_space<hbm>> -> memref<1000000x64xf32, #tpu.memory_space<hbm>>
      tpu.wait_indirect_dma semaphore(%arg7 : memref<!tpu.dma_semaphore, #tpu.memory_space<semaphore_mem>>) src(%dma_wait3A_102 : memref<1000000x64xf32, #tpu.memory_space<hbm>>) dst(%dma_wait3A_96 : memref<128x64xf32, #tpu.memory_space<vmem>>)
      %dma_wait3A_103 = arith.constant 384 : i32
      %dma_wait3A_104 = arith.constant 0 : i32
      %dma_wait3A_105 = tpu.memref_slice %arg6[%dma_wait3A_103, %dma_wait3A_104] : memref<640x64xf32, #tpu.memory_space<vmem>> -> memref<128x64xf32, #tpu.memory_space<vmem>>
      %dma_wait3A_106 = arith.constant 0 : i32
      %dma_wait3A_107 = tpu.memref_slice %arg5[%add3A_54, %dma_wait3A_106] : memref<100x128xi32, #tpu.memory_space<vmem>> -> memref<1x128xi32, #tpu.memory_space<vmem>>
      %dma_wait3A_108 = tpu.memref_squeeze %dma_wait3A_107 : memref<1x128xi32, #tpu.memory_space<vmem>> -> memref<128xi32, #tpu.memory_space<vmem>>
      %dma_wait3A_109 = arith.constant 0 : i32
      %dma_wait3A_110 = arith.constant 0 : i32
      %dma_wait3A_111 = tpu.memref_slice %arg3[%dma_wait3A_109, %dma_wait3A_110] : memref<1000000x64xf32, #tpu.memory_space<hbm>> -> memref<1000000x64xf32, #tpu.memory_space<hbm>>
      tpu.wait_indirect_dma semaphore(%arg7 : memref<!tpu.dma_semaphore, #tpu.memory_space<semaphore_mem>>) src(%dma_wait3A_111 : memref<1000000x64xf32, #tpu.memory_space<hbm>>) dst(%dma_wait3A_105 : memref<128x64xf32, #tpu.memory_space<vmem>>)
      %dma_wait3A_112 = arith.constant 512 : i32
      %dma_wait3A_113 = arith.constant 0 : i32
      %dma_wait3A_114 = tpu.memref_slice %arg6[%dma_wait3A_112, %dma_wait3A_113] : memref<640x64xf32, #tpu.memory_space<vmem>> -> memref<128x64xf32, #tpu.memory_space<vmem>>
      %dma_wait3A_115 = arith.constant 0 : i32
      %dma_wait3A_116 = tpu.memref_slice %arg5[%add3A_67, %dma_wait3A_115] : memref<100x128xi32, #tpu.memory_space<vmem>> -> memref<1x128xi32, #tpu.memory_space<vmem>>
      %dma_wait3A_117 = tpu.memref_squeeze %dma_wait3A_116 : memref<1x128xi32, #tpu.memory_space<vmem>> -> memref<128xi32, #tpu.memory_space<vmem>>
      %dma_wait3A_118 = arith.constant 0 : i32
      %dma_wait3A_119 = arith.constant 0 : i32
      %dma_wait3A_120 = tpu.memref_slice %arg3[%dma_wait3A_118, %dma_wait3A_119] : memref<1000000x64xf32, #tpu.memory_space<hbm>> -> memref<1000000x64xf32, #tpu.memory_space<hbm>>
      tpu.wait_indirect_dma semaphore(%arg7 : memref<!tpu.dma_semaphore, #tpu.memory_space<semaphore_mem>>) src(%dma_wait3A_120 : memref<1000000x64xf32, #tpu.memory_space<hbm>>) dst(%dma_wait3A_114 : memref<128x64xf32, #tpu.memory_space<vmem>>)
      %mul3A_121 = arith.constant 5 : i32
      %mul3A_122 = arith.muli %scan3A_12, %mul3A_121 : i32
      %mul3A_123 = arith.constant 128 : i32
      %mul3A_124 = arith.muli %mul3A_122, %mul3A_123 : i32
      %add3A_125 = arith.addi %mul3A_6, %mul3A_124 : i32
      %eq3A = arith.constant 0 : i32
      %eq3A_126 = arith.cmpi eq, %arg0, %eq3A : i32
      %convert_element_type3A = arith.extui %eq3A_126 : i1 to i32
      %cond3A = arith.constant 0 : i32
      %cond3A_127 = arith.cmpi ne, %convert_element_type3A, %cond3A : i32
      scf.if %cond3A_127 {
        "tpu.region"() ({
          %run_scoped3A = tpu.sem_alloc : memref<!tpu.dma_semaphore, #tpu.memory_space<semaphore_mem>>
          %dma_start3A_133 = arith.constant 0 : i32
          %dma_start3A_134 = tpu.memref_slice %arg4[%add3A_125, %dma_start3A_133] : memref<204800x128xf32, #tpu.memory_space<hbm>> -> memref<640x64xf32, #tpu.memory_space<hbm>>
          %dma_start3A_135 = arith.constant 0 : i32
          %dma_start3A_136 = tpu.memref_slice %arg4[%add3A_125, %dma_start3A_135] : memref<204800x128xf32, #tpu.memory_space<hbm>> -> memref<640x64xf32, #tpu.memory_space<hbm>>
          tpu.enqueue_dma source(%arg6 : memref<640x64xf32, #tpu.memory_space<vmem>>) target(%dma_start3A_136 : memref<640x64xf32, #tpu.memory_space<hbm>>) target_semaphore(%run_scoped3A : memref<!tpu.dma_semaphore, #tpu.memory_space<semaphore_mem>>)
          %dma_wait3A_137 = arith.constant 0 : i32
          %dma_wait3A_138 = tpu.memref_slice %arg4[%add3A_125, %dma_wait3A_137] : memref<204800x128xf32, #tpu.memory_space<hbm>> -> memref<640x64xf32, #tpu.memory_space<hbm>>
          %dma_wait3A_139 = arith.constant 0 : i32
          %dma_wait3A_140 = tpu.memref_slice %arg4[%add3A_125, %dma_wait3A_139] : memref<204800x128xf32, #tpu.memory_space<hbm>> -> memref<640x64xf32, #tpu.memory_space<hbm>>
          tpu.wait_dma2 semaphore(%run_scoped3A : memref<!tpu.dma_semaphore, #tpu.memory_space<semaphore_mem>>) src(%arg6 : memref<640x64xf32, #tpu.memory_space<vmem>>) dst(%dma_wait3A_140 : memref<640x64xf32, #tpu.memory_space<hbm>>)
          tpu.yield
        }) : () -> ()
      } else {
      }
      %eq3A_128 = arith.constant 1 : i32
      %eq3A_129 = arith.cmpi eq, %arg0, %eq3A_128 : i32
      %convert_element_type3A_130 = arith.extui %eq3A_129 : i1 to i32
      %cond3A_131 = arith.constant 0 : i32
      %cond3A_132 = arith.cmpi ne, %convert_element_type3A_130, %cond3A_131 : i32
      scf.if %cond3A_132 {
        "tpu.region"() ({
          %run_scoped3A = tpu.sem_alloc : memref<!tpu.dma_semaphore, #tpu.memory_space<semaphore_mem>>
          %dma_start3A_133 = arith.constant 64 : i32
          %dma_start3A_134 = tpu.memref_slice %arg4[%add3A_125, %dma_start3A_133] : memref<204800x128xf32, #tpu.memory_space<hbm>> -> memref<640x64xf32, #tpu.memory_space<hbm>>
          %dma_start3A_135 = arith.constant 64 : i32
          %dma_start3A_136 = tpu.memref_slice %arg4[%add3A_125, %dma_start3A_135] : memref<204800x128xf32, #tpu.memory_space<hbm>> -> memref<640x64xf32, #tpu.memory_space<hbm>>
          tpu.enqueue_dma source(%arg6 : memref<640x64xf32, #tpu.memory_space<vmem>>) target(%dma_start3A_136 : memref<640x64xf32, #tpu.memory_space<hbm>>) target_semaphore(%run_scoped3A : memref<!tpu.dma_semaphore, #tpu.memory_space<semaphore_mem>>)
          %dma_wait3A_137 = arith.constant 64 : i32
          %dma_wait3A_138 = tpu.memref_slice %arg4[%add3A_125, %dma_wait3A_137] : memref<204800x128xf32, #tpu.memory_space<hbm>> -> memref<640x64xf32, #tpu.memory_space<hbm>>
          %dma_wait3A_139 = arith.constant 64 : i32
          %dma_wait3A_140 = tpu.memref_slice %arg4[%add3A_125, %dma_wait3A_139] : memref<204800x128xf32, #tpu.memory_space<hbm>> -> memref<640x64xf32, #tpu.memory_space<hbm>>
          tpu.wait_dma2 semaphore(%run_scoped3A : memref<!tpu.dma_semaphore, #tpu.memory_space<semaphore_mem>>) src(%arg6 : memref<640x64xf32, #tpu.memory_space<vmem>>) dst(%dma_wait3A_140 : memref<640x64xf32, #tpu.memory_space<hbm>>)
          tpu.yield
        }) : () -> ()
      } else {
      }
    }
    %scan3A_11 = arith.constant 20 : i32
    return
  }
}

#map = affine_map<(d0, d1) -> (0, 0)>
module attributes {stable_mosaic.version = 14 : i64} {
  func.func @gather_kernel(%arg0: i32, %arg1: i32, %arg2: memref<3200x128xi32, #tpu.memory_space<hbm>>, %arg3: memref<1000000x64xf32, #tpu.memory_space<hbm>>, %arg4: memref<204800x128xf32, #tpu.memory_space<hbm>>, %arg5: memref<100x128xi32, #tpu.memory_space<vmem>>, %arg6: memref<640x64xf32, #tpu.memory_space<vmem>>, %arg7: memref<!tpu.dma_semaphore, #tpu.memory_space<semaphore_mem>>) attributes {dimension_semantics = [#tpu.dimension_semantics<core_parallel>, #tpu.dimension_semantics<subcore_parallel>], iteration_bounds = array<i64: 2, 16>, scalar_prefetch = 0 : i64, scratch_operands = 3 : i64, tpu.core_type = #tpu.core_type<sc_vector_subcore>, window_params = [{transform_indices = #map}, {transform_indices = #map}, {transform_indices = #map}]} {
    %mul3A = arith.constant 16 : i32
    %mul3A_0 = arith.muli %arg0, %mul3A : i32
    %add3A = arith.addi %mul3A_0, %arg1 : i32
    %mul3A_1 = arith.constant 100 : i32
    %mul3A_2 = arith.muli %add3A, %mul3A_1 : i32
    %mul3A_3 = arith.constant 100 : i32
    %mul3A_4 = arith.muli %arg1, %mul3A_3 : i32
    %mul3A_5 = arith.constant 128 : i32
    %mul3A_6 = arith.muli %mul3A_4, %mul3A_5 : i32
    "tpu.region"() ({
      %run_scoped3A = tpu.sem_alloc : memref<!tpu.dma_semaphore, #tpu.memory_space<semaphore_mem>>
      %dma_start3A = arith.constant 0 : i32
      %dma_start3A_12 = tpu.memref_slice %arg2[%mul3A_2, %dma_start3A] : memref<3200x128xi32, #tpu.memory_space<hbm>> -> memref<100x128xi32, #tpu.memory_space<hbm>>
      %dma_start3A_13 = arith.constant 0 : i32
      %dma_start3A_14 = tpu.memref_slice %arg2[%mul3A_2, %dma_start3A_13] : memref<3200x128xi32, #tpu.memory_space<hbm>> -> memref<100x128xi32, #tpu.memory_space<hbm>>
      tpu.enqueue_dma source(%dma_start3A_14 : memref<100x128xi32, #tpu.memory_space<hbm>>) target(%arg5 : memref<100x128xi32, #tpu.memory_space<vmem>>) target_semaphore(%run_scoped3A : memref<!tpu.dma_semaphore, #tpu.memory_space<semaphore_mem>>)
      %dma_wait3A = arith.constant 0 : i32
      %dma_wait3A_15 = tpu.memref_slice %arg2[%mul3A_2, %dma_wait3A] : memref<3200x128xi32, #tpu.memory_space<hbm>> -> memref<100x128xi32, #tpu.memory_space<hbm>>
      %dma_wait3A_16 = arith.constant 0 : i32
      %dma_wait3A_17 = tpu.memref_slice %arg2[%mul3A_2, %dma_wait3A_16] : memref<3200x128xi32, #tpu.memory_space<hbm>> -> memref<100x128xi32, #tpu.memory_space<hbm>>
      tpu.wait_dma2 semaphore(%run_scoped3A : memref<!tpu.dma_semaphore, #tpu.memory_space<semaphore_mem>>) src(%dma_wait3A_17 : memref<100x128xi32, #tpu.memory_space<hbm>>) dst(%arg5 : memref<100x128xi32, #tpu.memory_space<vmem>>)
      tpu.yield
    }) : () -> ()
    %scan3A = arith.constant 0 : i32
    %scan3A_7 = arith.constant 0 : i32
    %scan3A_8 = arith.constant 20 : i32
    %scan3A_9 = arith.addi %scan3A_7, %scan3A_8 : i32
    %scan3A_10 = arith.constant 1 : i32
    scf.for %scan3A_12 = %scan3A_7 to %scan3A_9 step %scan3A_10  : i32 {
      %mul3A_13 = arith.constant 5 : i32
      %mul3A_14 = arith.muli %scan3A_12, %mul3A_13 : i32
      %add3A_15 = arith.constant 0 : i32
      %add3A_16 = arith.addi %mul3A_14, %add3A_15 : i32
      %dma_start3A = arith.constant 0 : i32
      %dma_start3A_17 = arith.constant 0 : i32
      %dma_start3A_18 = tpu.memref_slice %arg6[%dma_start3A, %dma_start3A_17] : memref<640x64xf32, #tpu.memory_space<vmem>> -> memref<128x64xf32, #tpu.memory_space<vmem>>
      %dma_start3A_19 = arith.constant 0 : i32
      %dma_start3A_20 = tpu.memref_slice %arg5[%add3A_16, %dma_start3A_19] : memref<100x128xi32, #tpu.memory_space<vmem>> -> memref<1x128xi32, #tpu.memory_space<vmem>>
      %dma_start3A_21 = tpu.memref_squeeze %dma_start3A_20 : memref<1x128xi32, #tpu.memory_space<vmem>> -> memref<128xi32, #tpu.memory_space<vmem>>
      %dma_start3A_22 = arith.constant 0 : i32
      %dma_start3A_23 = arith.constant 0 : i32
      %dma_start3A_24 = tpu.memref_slice %arg3[%dma_start3A_22, %dma_start3A_23] : memref<1000000x64xf32, #tpu.memory_space<hbm>> -> memref<1000000x64xf32, #tpu.memory_space<hbm>>
      tpu.enqueue_indirect_dma source(%dma_start3A_24 : memref<1000000x64xf32, #tpu.memory_space<hbm>>) target(%dma_start3A_18 : memref<128x64xf32, #tpu.memory_space<vmem>>) offsets(%dma_start3A_21 : memref<128xi32, #tpu.memory_space<vmem>>) semaphore(%arg7 : memref<!tpu.dma_semaphore, #tpu.memory_space<semaphore_mem>>)
      %mul3A_25 = arith.constant 5 : i32
      %mul3A_26 = arith.muli %scan3A_12, %mul3A_25 : i32
      %add3A_27 = arith.constant 1 : i32
      %add3A_28 = arith.addi %mul3A_26, %add3A_27 : i32
      %dma_start3A_29 = arith.constant 128 : i32
      %dma_start3A_30 = arith.constant 0 : i32
      %dma_start3A_31 = tpu.memref_slice %arg6[%dma_start3A_29, %dma_start3A_30] : memref<640x64xf32, #tpu.memory_space<vmem>> -> memref<128x64xf32, #tpu.memory_space<vmem>>
      %dma_start3A_32 = arith.constant 0 : i32
      %dma_start3A_33 = tpu.memref_slice %arg5[%add3A_28, %dma_start3A_32] : memref<100x128xi32, #tpu.memory_space<vmem>> -> memref<1x128xi32, #tpu.memory_space<vmem>>
      %dma_start3A_34 = tpu.memref_squeeze %dma_start3A_33 : memref<1x128xi32, #tpu.memory_space<vmem>> -> memref<128xi32, #tpu.memory_space<vmem>>
      %dma_start3A_35 = arith.constant 0 : i32
      %dma_start3A_36 = arith.constant 0 : i32
      %dma_start3A_37 = tpu.memref_slice %arg3[%dma_start3A_35, %dma_start3A_36] : memref<1000000x64xf32, #tpu.memory_space<hbm>> -> memref<1000000x64xf32, #tpu.memory_space<hbm>>
      tpu.enqueue_indirect_dma source(%dma_start3A_37 : memref<1000000x64xf32, #tpu.memory_space<hbm>>) target(%dma_start3A_31 : memref<128x64xf32, #tpu.memory_space<vmem>>) offsets(%dma_start3A_34 : memref<128xi32, #tpu.memory_space<vmem>>) semaphore(%arg7 : memref<!tpu.dma_semaphore, #tpu.memory_space<semaphore_mem>>)
      %mul3A_38 = arith.constant 5 : i32
      %mul3A_39 = arith.muli %scan3A_12, %mul3A_38 : i32
      %add3A_40 = arith.constant 2 : i32
      %add3A_41 = arith.addi %mul3A_39, %add3A_40 : i32
      %dma_start3A_42 = arith.constant 256 : i32
      %dma_start3A_43 = arith.constant 0 : i32
      %dma_start3A_44 = tpu.memref_slice %arg6[%dma_start3A_42, %dma_start3A_43] : memref<640x64xf32, #tpu.memory_space<vmem>> -> memref<128x64xf32, #tpu.memory_space<vmem>>
      %dma_start3A_45 = arith.constant 0 : i32
      %dma_start3A_46 = tpu.memref_slice %arg5[%add3A_41, %dma_start3A_45] : memref<100x128xi32, #tpu.memory_space<vmem>> -> memref<1x128xi32, #tpu.memory_space<vmem>>
      %dma_start3A_47 = tpu.memref_squeeze %dma_start3A_46 : memref<1x128xi32, #tpu.memory_space<vmem>> -> memref<128xi32, #tpu.memory_space<vmem>>
      %dma_start3A_48 = arith.constant 0 : i32
      %dma_start3A_49 = arith.constant 0 : i32
      %dma_start3A_50 = tpu.memref_slice %arg3[%dma_start3A_48, %dma_start3A_49] : memref<1000000x64xf32, #tpu.memory_space<hbm>> -> memref<1000000x64xf32, #tpu.memory_space<hbm>>
      tpu.enqueue_indirect_dma source(%dma_start3A_50 : memref<1000000x64xf32, #tpu.memory_space<hbm>>) target(%dma_start3A_44 : memref<128x64xf32, #tpu.memory_space<vmem>>) offsets(%dma_start3A_47 : memref<128xi32, #tpu.memory_space<vmem>>) semaphore(%arg7 : memref<!tpu.dma_semaphore, #tpu.memory_space<semaphore_mem>>)
      %mul3A_51 = arith.constant 5 : i32
      %mul3A_52 = arith.muli %scan3A_12, %mul3A_51 : i32
      %add3A_53 = arith.constant 3 : i32
      %add3A_54 = arith.addi %mul3A_52, %add3A_53 : i32
      %dma_start3A_55 = arith.constant 384 : i32
      %dma_start3A_56 = arith.constant 0 : i32
      %dma_start3A_57 = tpu.memref_slice %arg6[%dma_start3A_55, %dma_start3A_56] : memref<640x64xf32, #tpu.memory_space<vmem>> -> memref<128x64xf32, #tpu.memory_space<vmem>>
      %dma_start3A_58 = arith.constant 0 : i32
      %dma_start3A_59 = tpu.memref_slice %arg5[%add3A_54, %dma_start3A_58] : memref<100x128xi32, #tpu.memory_space<vmem>> -> memref<1x128xi32, #tpu.memory_space<vmem>>
      %dma_start3A_60 = tpu.memref_squeeze %dma_start3A_59 : memref<1x128xi32, #tpu.memory_space<vmem>> -> memref<128xi32, #tpu.memory_space<vmem>>
      %dma_start3A_61 = arith.constant 0 : i32
      %dma_start3A_62 = arith.constant 0 : i32
      %dma_start3A_63 = tpu.memref_slice %arg3[%dma_start3A_61, %dma_start3A_62] : memref<1000000x64xf32, #tpu.memory_space<hbm>> -> memref<1000000x64xf32, #tpu.memory_space<hbm>>
      tpu.enqueue_indirect_dma source(%dma_start3A_63 : memref<1000000x64xf32, #tpu.memory_space<hbm>>) target(%dma_start3A_57 : memref<128x64xf32, #tpu.memory_space<vmem>>) offsets(%dma_start3A_60 : memref<128xi32, #tpu.memory_space<vmem>>) semaphore(%arg7 : memref<!tpu.dma_semaphore, #tpu.memory_space<semaphore_mem>>)
      %mul3A_64 = arith.constant 5 : i32
      %mul3A_65 = arith.muli %scan3A_12, %mul3A_64 : i32
      %add3A_66 = arith.constant 4 : i32
      %add3A_67 = arith.addi %mul3A_65, %add3A_66 : i32
      %dma_start3A_68 = arith.constant 512 : i32
      %dma_start3A_69 = arith.constant 0 : i32
      %dma_start3A_70 = tpu.memref_slice %arg6[%dma_start3A_68, %dma_start3A_69] : memref<640x64xf32, #tpu.memory_space<vmem>> -> memref<128x64xf32, #tpu.memory_space<vmem>>
      %dma_start3A_71 = arith.constant 0 : i32
      %dma_start3A_72 = tpu.memref_slice %arg5[%add3A_67, %dma_start3A_71] : memref<100x128xi32, #tpu.memory_space<vmem>> -> memref<1x128xi32, #tpu.memory_space<vmem>>
      %dma_start3A_73 = tpu.memref_squeeze %dma_start3A_72 : memref<1x128xi32, #tpu.memory_space<vmem>> -> memref<128xi32, #tpu.memory_space<vmem>>
      %dma_start3A_74 = arith.constant 0 : i32
      %dma_start3A_75 = arith.constant 0 : i32
      %dma_start3A_76 = tpu.memref_slice %arg3[%dma_start3A_74, %dma_start3A_75] : memref<1000000x64xf32, #tpu.memory_space<hbm>> -> memref<1000000x64xf32, #tpu.memory_space<hbm>>
      tpu.enqueue_indirect_dma source(%dma_start3A_76 : memref<1000000x64xf32, #tpu.memory_space<hbm>>) target(%dma_start3A_70 : memref<128x64xf32, #tpu.memory_space<vmem>>) offsets(%dma_start3A_73 : memref<128xi32, #tpu.memory_space<vmem>>) semaphore(%arg7 : memref<!tpu.dma_semaphore, #tpu.memory_space<semaphore_mem>>)
      %dma_wait3A = arith.constant 0 : i32
      %dma_wait3A_77 = arith.constant 0 : i32
      %dma_wait3A_78 = tpu.memref_slice %arg6[%dma_wait3A, %dma_wait3A_77] : memref<640x64xf32, #tpu.memory_space<vmem>> -> memref<128x64xf32, #tpu.memory_space<vmem>>
      %dma_wait3A_79 = arith.constant 0 : i32
      %dma_wait3A_80 = tpu.memref_slice %arg5[%add3A_16, %dma_wait3A_79] : memref<100x128xi32, #tpu.memory_space<vmem>> -> memref<1x128xi32, #tpu.memory_space<vmem>>
      %dma_wait3A_81 = tpu.memref_squeeze %dma_wait3A_80 : memref<1x128xi32, #tpu.memory_space<vmem>> -> memref<128xi32, #tpu.memory_space<vmem>>
      %dma_wait3A_82 = arith.constant 0 : i32
      %dma_wait3A_83 = arith.constant 0 : i32
      %dma_wait3A_84 = tpu.memref_slice %arg3[%dma_wait3A_82, %dma_wait3A_83] : memref<1000000x64xf32, #tpu.memory_space<hbm>> -> memref<1000000x64xf32, #tpu.memory_space<hbm>>
      tpu.wait_indirect_dma semaphore(%arg7 : memref<!tpu.dma_semaphore, #tpu.memory_space<semaphore_mem>>) src(%dma_wait3A_84 : memref<1000000x64xf32, #tpu.memory_space<hbm>>) dst(%dma_wait3A_78 : memref<128x64xf32, #tpu.memory_space<vmem>>)
      %dma_wait3A_85 = arith.constant 128 : i32
      %dma_wait3A_86 = arith.constant 0 : i32
      %dma_wait3A_87 = tpu.memref_slice %arg6[%dma_wait3A_85, %dma_wait3A_86] : memref<640x64xf32, #tpu.memory_space<vmem>> -> memref<128x64xf32, #tpu.memory_space<vmem>>
      %dma_wait3A_88 = arith.constant 0 : i32
      %dma_wait3A_89 = tpu.memref_slice %arg5[%add3A_28, %dma_wait3A_88] : memref<100x128xi32, #tpu.memory_space<vmem>> -> memref<1x128xi32, #tpu.memory_space<vmem>>
      %dma_wait3A_90 = tpu.memref_squeeze %dma_wait3A_89 : memref<1x128xi32, #tpu.memory_space<vmem>> -> memref<128xi32, #tpu.memory_space<vmem>>
      %dma_wait3A_91 = arith.constant 0 : i32
      %dma_wait3A_92 = arith.constant 0 : i32
      %dma_wait3A_93 = tpu.memref_slice %arg3[%dma_wait3A_91, %dma_wait3A_92] : memref<1000000x64xf32, #tpu.memory_space<hbm>> -> memref<1000000x64xf32, #tpu.memory_space<hbm>>
      tpu.wait_indirect_dma semaphore(%arg7 : memref<!tpu.dma_semaphore, #tpu.memory_space<semaphore_mem>>) src(%dma_wait3A_93 : memref<1000000x64xf32, #tpu.memory_space<hbm>>) dst(%dma_wait3A_87 : memref<128x64xf32, #tpu.memory_space<vmem>>)
      %dma_wait3A_94 = arith.constant 256 : i32
      %dma_wait3A_95 = arith.constant 0 : i32
      %dma_wait3A_96 = tpu.memref_slice %arg6[%dma_wait3A_94, %dma_wait3A_95] : memref<640x64xf32, #tpu.memory_space<vmem>> -> memref<128x64xf32, #tpu.memory_space<vmem>>
      %dma_wait3A_97 = arith.constant 0 : i32
      %dma_wait3A_98 = tpu.memref_slice %arg5[%add3A_41, %dma_wait3A_97] : memref<100x128xi32, #tpu.memory_space<vmem>> -> memref<1x128xi32, #tpu.memory_space<vmem>>
      %dma_wait3A_99 = tpu.memref_squeeze %dma_wait3A_98 : memref<1x128xi32, #tpu.memory_space<vmem>> -> memref<128xi32, #tpu.memory_space<vmem>>
      %dma_wait3A_100 = arith.constant 0 : i32
      %dma_wait3A_101 = arith.constant 0 : i32
      %dma_wait3A_102 = tpu.memref_slice %arg3[%dma_wait3A_100, %dma_wait3A_101] : memref<1000000x64xf32, #tpu.memory_space<hbm>> -> memref<1000000x64xf32, #tpu.memory_space<hbm>>
      tpu.wait_indirect_dma semaphore(%arg7 : memref<!tpu.dma_semaphore, #tpu.memory_space<semaphore_mem>>) src(%dma_wait3A_102 : memref<1000000x64xf32, #tpu.memory_space<hbm>>) dst(%dma_wait3A_96 : memref<128x64xf32, #tpu.memory_space<vmem>>)
      %dma_wait3A_103 = arith.constant 384 : i32
      %dma_wait3A_104 = arith.constant 0 : i32
      %dma_wait3A_105 = tpu.memref_slice %arg6[%dma_wait3A_103, %dma_wait3A_104] : memref<640x64xf32, #tpu.memory_space<vmem>> -> memref<128x64xf32, #tpu.memory_space<vmem>>
      %dma_wait3A_106 = arith.constant 0 : i32
      %dma_wait3A_107 = tpu.memref_slice %arg5[%add3A_54, %dma_wait3A_106] : memref<100x128xi32, #tpu.memory_space<vmem>> -> memref<1x128xi32, #tpu.memory_space<vmem>>
      %dma_wait3A_108 = tpu.memref_squeeze %dma_wait3A_107 : memref<1x128xi32, #tpu.memory_space<vmem>> -> memref<128xi32, #tpu.memory_space<vmem>>
      %dma_wait3A_109 = arith.constant 0 : i32
      %dma_wait3A_110 = arith.constant 0 : i32
      %dma_wait3A_111 = tpu.memref_slice %arg3[%dma_wait3A_109, %dma_wait3A_110] : memref<1000000x64xf32, #tpu.memory_space<hbm>> -> memref<1000000x64xf32, #tpu.memory_space<hbm>>
      tpu.wait_indirect_dma semaphore(%arg7 : memref<!tpu.dma_semaphore, #tpu.memory_space<semaphore_mem>>) src(%dma_wait3A_111 : memref<1000000x64xf32, #tpu.memory_space<hbm>>) dst(%dma_wait3A_105 : memref<128x64xf32, #tpu.memory_space<vmem>>)
      %dma_wait3A_112 = arith.constant 512 : i32
      %dma_wait3A_113 = arith.constant 0 : i32
      %dma_wait3A_114 = tpu.memref_slice %arg6[%dma_wait3A_112, %dma_wait3A_113] : memref<640x64xf32, #tpu.memory_space<vmem>> -> memref<128x64xf32, #tpu.memory_space<vmem>>
      %dma_wait3A_115 = arith.constant 0 : i32
      %dma_wait3A_116 = tpu.memref_slice %arg5[%add3A_67, %dma_wait3A_115] : memref<100x128xi32, #tpu.memory_space<vmem>> -> memref<1x128xi32, #tpu.memory_space<vmem>>
      %dma_wait3A_117 = tpu.memref_squeeze %dma_wait3A_116 : memref<1x128xi32, #tpu.memory_space<vmem>> -> memref<128xi32, #tpu.memory_space<vmem>>
      %dma_wait3A_118 = arith.constant 0 : i32
      %dma_wait3A_119 = arith.constant 0 : i32
      %dma_wait3A_120 = tpu.memref_slice %arg3[%dma_wait3A_118, %dma_wait3A_119] : memref<1000000x64xf32, #tpu.memory_space<hbm>> -> memref<1000000x64xf32, #tpu.memory_space<hbm>>
      tpu.wait_indirect_dma semaphore(%arg7 : memref<!tpu.dma_semaphore, #tpu.memory_space<semaphore_mem>>) src(%dma_wait3A_120 : memref<1000000x64xf32, #tpu.memory_space<hbm>>) dst(%dma_wait3A_114 : memref<128x64xf32, #tpu.memory_space<vmem>>)
      %mul3A_121 = arith.constant 5 : i32
      %mul3A_122 = arith.muli %scan3A_12, %mul3A_121 : i32
      %mul3A_123 = arith.constant 128 : i32
      %mul3A_124 = arith.muli %mul3A_122, %mul3A_123 : i32
      %add3A_125 = arith.addi %mul3A_6, %mul3A_124 : i32
      %eq3A = arith.constant 0 : i32
      %eq3A_126 = arith.cmpi eq, %arg0, %eq3A : i32
      %convert_element_type3A = arith.extui %eq3A_126 : i1 to i32
      %cond3A = arith.constant 0 : i32
      %cond3A_127 = arith.cmpi ne, %convert_element_type3A, %cond3A : i32
      scf.if %cond3A_127 {
        "tpu.region"() ({
          %run_scoped3A = tpu.sem_alloc : memref<!tpu.dma_semaphore, #tpu.memory_space<semaphore_mem>>
          %dma_start3A_133 = arith.constant 0 : i32
          %dma_start3A_134 = tpu.memref_slice %arg4[%add3A_125, %dma_start3A_133] : memref<204800x128xf32, #tpu.memory_space<hbm>> -> memref<640x64xf32, #tpu.memory_space<hbm>>
          %dma_start3A_135 = arith.constant 0 : i32
          %dma_start3A_136 = tpu.memref_slice %arg4[%add3A_125, %dma_start3A_135] : memref<204800x128xf32, #tpu.memory_space<hbm>> -> memref<640x64xf32, #tpu.memory_space<hbm>>
          tpu.enqueue_dma source(%arg6 : memref<640x64xf32, #tpu.memory_space<vmem>>) target(%dma_start3A_136 : memref<640x64xf32, #tpu.memory_space<hbm>>) target_semaphore(%run_scoped3A : memref<!tpu.dma_semaphore, #tpu.memory_space<semaphore_mem>>)
          %dma_wait3A_137 = arith.constant 0 : i32
          %dma_wait3A_138 = tpu.memref_slice %arg4[%add3A_125, %dma_wait3A_137] : memref<204800x128xf32, #tpu.memory_space<hbm>> -> memref<640x64xf32, #tpu.memory_space<hbm>>
          %dma_wait3A_139 = arith.constant 0 : i32
          %dma_wait3A_140 = tpu.memref_slice %arg4[%add3A_125, %dma_wait3A_139] : memref<204800x128xf32, #tpu.memory_space<hbm>> -> memref<640x64xf32, #tpu.memory_space<hbm>>
          tpu.wait_dma2 semaphore(%run_scoped3A : memref<!tpu.dma_semaphore, #tpu.memory_space<semaphore_mem>>) src(%arg6 : memref<640x64xf32, #tpu.memory_space<vmem>>) dst(%dma_wait3A_140 : memref<640x64xf32, #tpu.memory_space<hbm>>)
          tpu.yield
        }) : () -> ()
      } else {
      }
      %eq3A_128 = arith.constant 1 : i32
      %eq3A_129 = arith.cmpi eq, %arg0, %eq3A_128 : i32
      %convert_element_type3A_130 = arith.extui %eq3A_129 : i1 to i32
      %cond3A_131 = arith.constant 0 : i32
      %cond3A_132 = arith.cmpi ne, %convert_element_type3A_130, %cond3A_131 : i32
      scf.if %cond3A_132 {
        "tpu.region"() ({
          %run_scoped3A = tpu.sem_alloc : memref<!tpu.dma_semaphore, #tpu.memory_space<semaphore_mem>>
          %dma_start3A_133 = arith.constant 64 : i32
          %dma_start3A_134 = tpu.memref_slice %arg4[%add3A_125, %dma_start3A_133] : memref<204800x128xf32, #tpu.memory_space<hbm>> -> memref<640x64xf32, #tpu.memory_space<hbm>>
          %dma_start3A_135 = arith.constant 64 : i32
          %dma_start3A_136 = tpu.memref_slice %arg4[%add3A_125, %dma_start3A_135] : memref<204800x128xf32, #tpu.memory_space<hbm>> -> memref<640x64xf32, #tpu.memory_space<hbm>>
          tpu.enqueue_dma source(%arg6 : memref<640x64xf32, #tpu.memory_space<vmem>>) target(%dma_start3A_136 : memref<640x64xf32, #tpu.memory_space<hbm>>) target_semaphore(%run_scoped3A : memref<!tpu.dma_semaphore, #tpu.memory_space<semaphore_mem>>)
          %dma_wait3A_137 = arith.constant 64 : i32
          %dma_wait3A_138 = tpu.memref_slice %arg4[%add3A_125, %dma_wait3A_137] : memref<204800x128xf32, #tpu.memory_space<hbm>> -> memref<640x64xf32, #tpu.memory_space<hbm>>
          %dma_wait3A_139 = arith.constant 64 : i32
          %dma_wait3A_140 = tpu.memref_slice %arg4[%add3A_125, %dma_wait3A_139] : memref<204800x128xf32, #tpu.memory_space<hbm>> -> memref<640x64xf32, #tpu.memory_space<hbm>>
          tpu.wait_dma2 semaphore(%run_scoped3A : memref<!tpu.dma_semaphore, #tpu.memory_space<semaphore_mem>>) src(%arg6 : memref<640x64xf32, #tpu.memory_space<vmem>>) dst(%dma_wait3A_140 : memref<640x64xf32, #tpu.memory_space<hbm>>)
          tpu.yield
        }) : () -> ()
      } else {
      }
    }
    %scan3A_11 = arith.constant 20 : i32
    return
  }
}

module attributes {stable_mosaic.version = 14 : i64} {
  func.func @mm_next(%arg0: i32, %arg1: memref<4x204800x768xf32, #tpu.memory_space<any>>, %arg2: memref<2048x128xf32, #tpu.memory_space<vmem>>, %arg3: memref<64x768xf32, #tpu.memory_space<vmem>>, %arg4: memref<2x2048x768xf32, #tpu.memory_space<vmem>>) attributes {dimension_semantics = [#tpu.dimension_semantics<arbitrary>], iteration_bounds = array<i64: 100>, scalar_prefetch = 0 : i64, scratch_operands = 0 : i64, tpu.core_type = #tpu.core_type<tc>, window_params = [{}, {transform_indices = @transform_1, window_bounds = array<i64: 2048, 128>}, {pipeline_mode = #tpu.pipeline_mode<synchronous>, transform_indices = @transform_2, window_bounds = array<i64: 64, 768>}, {transform_indices = @transform_3, window_bounds = array<i64: 2, 2048, 768>}]} {
    %get3A = arith.constant 0 : index
    %get3A_0 = arith.constant 0 : index
    %get3A_1 = vector.load %arg2[%get3A, %get3A_0] : memref<2048x128xf32, #tpu.memory_space<vmem>>, vector<2048x128xf32>
    %get3A_2 = arith.constant 0 : index
    %get3A_3 = arith.constant 0 : index
    %get3A_4 = vector.load %arg3[%get3A_2, %get3A_3] : memref<64x768xf32, #tpu.memory_space<vmem>>, vector<64x768xf32>
    %slice3A = vector.extract_strided_slice %get3A_1 {offsets = [0, 0], sizes = [2048, 64], strides = [1, 1]} : vector<2048x128xf32> to vector<2048x64xf32>
    %dot_general3A = arith.constant dense<0.000000e+00> : vector<2048x768xf32>
    %dot_general3A_5 = tpu.matmul %slice3A, %get3A_4, %dot_general3A {dimension_numbers = #tpu.dot_dimension_numbers<[1], [0], [0], [1], [0, 0, 1, 1], [], []>, transpose_lhs_hint = false} : vector<2048x64xf32>, vector<64x768xf32>, vector<2048x768xf32> -> vector<2048x768xf32>
    %swap3A = arith.constant 0 : index
    %swap3A_6 = arith.constant 0 : index
    %swap3A_7 = arith.constant 0 : index
    %swap3A_8 = vector.load %arg4[%swap3A, %swap3A_6, %swap3A_7] : memref<2x2048x768xf32, #tpu.memory_space<vmem>>, vector<1x2048x768xf32>
    %swap3A_9 = vector.shape_cast %swap3A_8 : vector<1x2048x768xf32> to vector<2048x768xf32>
    %swap3A_10 = vector.shape_cast %dot_general3A_5 : vector<2048x768xf32> to vector<1x2048x768xf32>
    tpu.vector_store %arg4[%swap3A, %swap3A_6, %swap3A_7], %swap3A_10 {strides = array<i32>} : memref<2x2048x768xf32, #tpu.memory_space<vmem>>, vector<1x2048x768xf32>,
    %slice3A_11 = vector.extract_strided_slice %get3A_1 {offsets = [0, 64], sizes = [2048, 64], strides = [1, 1]} : vector<2048x128xf32> to vector<2048x64xf32>
    %dot_general3A_12 = arith.constant dense<0.000000e+00> : vector<2048x768xf32>
    %dot_general3A_13 = tpu.matmul %slice3A_11, %get3A_4, %dot_general3A_12 {dimension_numbers = #tpu.dot_dimension_numbers<[1], [0], [0], [1], [0, 0, 1, 1], [], []>, transpose_lhs_hint = false} : vector<2048x64xf32>, vector<64x768xf32>, vector<2048x768xf32> -> vector<2048x768xf32>
    %swap3A_14 = arith.constant 1 : index
    %swap3A_15 = arith.constant 0 : index
    %swap3A_16 = arith.constant 0 : index
    %swap3A_17 = vector.load %arg4[%swap3A_14, %swap3A_15, %swap3A_16] : memref<2x2048x768xf32, #tpu.memory_space<vmem>>, vector<1x2048x768xf32>
    %swap3A_18 = vector.shape_cast %swap3A_17 : vector<1x2048x768xf32> to vector<2048x768xf32>
    %swap3A_19 = vector.shape_cast %dot_general3A_13 : vector<2048x768xf32> to vector<1x2048x768xf32>
    tpu.vector_store %arg4[%swap3A_14, %swap3A_15, %swap3A_16], %swap3A_19 {strides = array<i32>} : memref<2x2048x768xf32, #tpu.memory_space<vmem>>, vector<1x2048x768xf32>,
    return
  }
  func.func @transform_1(%arg0: i32) -> (i32, i32) {
    %c0_i32 = arith.constant 0 : i32
    %c0_i32_0 = arith.constant 0 : i32
    return %arg0, %c0_i32 : i32, i32
  }
  func.func @transform_2(%arg0: i32) -> (i32, i32) {
    %c0_i32 = arith.constant 0 : i32
    %c0_i32_0 = arith.constant 0 : i32
    %c0_i32_1 = arith.constant 0 : i32
    return %c0_i32, %c0_i32_0 : i32, i32
  }
  func.func @transform_3(%arg0: i32) -> (i32, i32, i32) {
    %c1_i32 = arith.constant 1 : i32
    %c0_i32 = arith.constant 0 : i32
    %c0_i32_0 = arith.constant 0 : i32
    return %c1_i32, %arg0, %c0_i32 : i32, i32, i32
  }
}

module attributes {stable_mosaic.version = 14 : i64} {
  func.func @mm_first(%arg0: i32, %arg1: memref<2048x128xf32, #tpu.memory_space<vmem>>, %arg2: memref<64x768xf32, #tpu.memory_space<vmem>>, %arg3: memref<2x2048x768xf32, #tpu.memory_space<vmem>>) attributes {dimension_semantics = [#tpu.dimension_semantics<arbitrary>], iteration_bounds = array<i64: 100>, scalar_prefetch = 0 : i64, scratch_operands = 0 : i64, tpu.core_type = #tpu.core_type<tc>, window_params = [{transform_indices = @transform_0, window_bounds = array<i64: 2048, 128>}, {pipeline_mode = #tpu.pipeline_mode<synchronous>, transform_indices = @transform_1, window_bounds = array<i64: 64, 768>}, {transform_indices = @transform_2, window_bounds = array<i64: 2, 2048, 768>}]} {
    %get3A = arith.constant 0 : index
    %get3A_0 = arith.constant 0 : index
    %get3A_1 = vector.load %arg1[%get3A, %get3A_0] : memref<2048x128xf32, #tpu.memory_space<vmem>>, vector<2048x128xf32>
    %get3A_2 = arith.constant 0 : index
    %get3A_3 = arith.constant 0 : index
    %get3A_4 = vector.load %arg2[%get3A_2, %get3A_3] : memref<64x768xf32, #tpu.memory_space<vmem>>, vector<64x768xf32>
    %slice3A = vector.extract_strided_slice %get3A_1 {offsets = [0, 0], sizes = [2048, 64], strides = [1, 1]} : vector<2048x128xf32> to vector<2048x64xf32>
    %dot_general3A = arith.constant dense<0.000000e+00> : vector<2048x768xf32>
    %dot_general3A_5 = tpu.matmul %slice3A, %get3A_4, %dot_general3A {dimension_numbers = #tpu.dot_dimension_numbers<[1], [0], [0], [1], [0, 0, 1, 1], [], []>, transpose_lhs_hint = false} : vector<2048x64xf32>, vector<64x768xf32>, vector<2048x768xf32> -> vector<2048x768xf32>
    %swap3A = arith.constant 0 : index
    %swap3A_6 = arith.constant 0 : index
    %swap3A_7 = arith.constant 0 : index
    %swap3A_8 = vector.load %arg3[%swap3A, %swap3A_6, %swap3A_7] : memref<2x2048x768xf32, #tpu.memory_space<vmem>>, vector<1x2048x768xf32>
    %swap3A_9 = vector.shape_cast %swap3A_8 : vector<1x2048x768xf32> to vector<2048x768xf32>
    %swap3A_10 = vector.shape_cast %dot_general3A_5 : vector<2048x768xf32> to vector<1x2048x768xf32>
    tpu.vector_store %arg3[%swap3A, %swap3A_6, %swap3A_7], %swap3A_10 {strides = array<i32>} : memref<2x2048x768xf32, #tpu.memory_space<vmem>>, vector<1x2048x768xf32>,
    %slice3A_11 = vector.extract_strided_slice %get3A_1 {offsets = [0, 64], sizes = [2048, 64], strides = [1, 1]} : vector<2048x128xf32> to vector<2048x64xf32>
    %dot_general3A_12 = arith.constant dense<0.000000e+00> : vector<2048x768xf32>
    %dot_general3A_13 = tpu.matmul %slice3A_11, %get3A_4, %dot_general3A_12 {dimension_numbers = #tpu.dot_dimension_numbers<[1], [0], [0], [1], [0, 0, 1, 1], [], []>, transpose_lhs_hint = false} : vector<2048x64xf32>, vector<64x768xf32>, vector<2048x768xf32> -> vector<2048x768xf32>
    %swap3A_14 = arith.constant 1 : index
    %swap3A_15 = arith.constant 0 : index
    %swap3A_16 = arith.constant 0 : index
    %swap3A_17 = vector.load %arg3[%swap3A_14, %swap3A_15, %swap3A_16] : memref<2x2048x768xf32, #tpu.memory_space<vmem>>, vector<1x2048x768xf32>
    %swap3A_18 = vector.shape_cast %swap3A_17 : vector<1x2048x768xf32> to vector<2048x768xf32>
    %swap3A_19 = vector.shape_cast %dot_general3A_13 : vector<2048x768xf32> to vector<1x2048x768xf32>
    tpu.vector_store %arg3[%swap3A_14, %swap3A_15, %swap3A_16], %swap3A_19 {strides = array<i32>} : memref<2x2048x768xf32, #tpu.memory_space<vmem>>, vector<1x2048x768xf32>,
    return
  }
  func.func @transform_0(%arg0: i32) -> (i32, i32) {
    %c0_i32 = arith.constant 0 : i32
    %c0_i32_0 = arith.constant 0 : i32
    return %arg0, %c0_i32 : i32, i32
  }
  func.func @transform_1(%arg0: i32) -> (i32, i32) {
    %c0_i32 = arith.constant 0 : i32
    %c0_i32_0 = arith.constant 0 : i32
    %c0_i32_1 = arith.constant 0 : i32
    return %c0_i32, %c0_i32_0 : i32, i32
  }
  func.func @transform_2(%arg0: i32) -> (i32, i32, i32) {
    %c0_i32 = arith.constant 0 : i32
    %c0_i32_0 = arith.constant 0 : i32
    %c0_i32_1 = arith.constant 0 : i32
    return %c0_i32, %arg0, %c0_i32_0 : i32, i32, i32
  }
}

</mosaic_0001>

<sc_bundles>
// kernel: kernel.6.cloned.1.call-start
scs
__scs_entry_jumppad:
0x0: {  	(pc) =	sbr.rel $0x88, $3  }
0x1: {  	(tag) =	ssettag $0x0;
	lr =	simm.s32 $0x1  }
0x2: {  	[smem:$0x3F9E] =	sst lr;
	_ =	strace $0xD0000000  }
0x3: {  	_ = 	snop  }
0x4: {  	_ = 	snop  }
0x5: {  	_ = 	snop  }
0x6: {  	_ = 	snop  }
0x7: {  	_ = 	snop  }
__scs_overlays_trampoline_lowered:
0x8: {  	[smem:$0x3FAD] =	sst s0  }
0x9: {  	[smem:$0x3FAE] =	sst s1  }
0xa: {  	[smem:$0x3FAF] =	sst s2  }
0xb: {  	[smem:$0x3FB0] =	sst s3  }
0xc: {  	[smem:$0x3FB1] =	sst s4  }
0xd: {  	[smem:$0x3FB2] =	sst s5  }
0xe: {  	[smem:$0x3FB3] =	sst s6  }
0xf: {  	[smem:$0x3FB4] =	sst s7  }
0x10: {  	[smem:$0x3FB5] =	sst s8  }
0x11: {  	[smem:$0x3FB6] =	sst s9;
	s0 =	simm.s32 @!p0 $0x0  }
0x12: {  	s1 =	sld [smem:$0x3F9C];
	s0 =	simm.s32 @p0 $0x1  }
0x13: {  	[smem:$0x3FB7] =	sst s0;
	s0 =	simm.s32 @!p1 $0x0  }
0x14: {  	s2 =	sld [smem:$0x3F9B];
	s0 =	simm.s32 @p1 $0x1  }
0x15: {  	[smem:$0x3FB8] =	sst s0;
	s0 =	simm.s32 @!p2 $0x0  }
0x16: {  	s3 =	sld [smem:$0x3FDB];
	s0 =	simm.s32 @p2 $0x1  }
0x17: {  	s4 =	simm.s32 $0x1BF5;
	[smem:$0x3FBA] =	sst s0  }
0x18: {  	s0 =	sld [smem:$0x3F9D];
	_ =	swait.ge [sflag:s4], $0x0  }
0x19: {  	s7 =	sld [smem:$0x3F9E]  }
0x1a: {  	s8 =	sadd.s32 $0xFFFFE003, lr  }
0x1b: {  	s9 =	sadd.s32 $0xFFFFFEF7, lr;
	s5 =	simm.s32 $0xFFFFFFFF;
	p2 =	slt.u32 s8, $0xFFFFF086  }
0x1c: {  	p1 =	slt.u32 s9, $0xF7A;
	s5 =	simm.s32 @!p2 $0x0  }
0x1d: {  	s5 =	simm.s32 @p1 $0x1;
	p0 =	seq.s32 s7, s2  }
0x1e: {  	s7 =	smul.u32 @!p0 $0xF7A, s2;
	p2 =	seq.s32 @!p0 s5, $0x0  }
0x1f: {  	s9 =	smul.u32 $0xF7A, s1;
	s8 =	simm.s32 @!p0 $0x1BF5;
	p2 =	por !p2, p0  }
0x20: {  	[sflag:s8] =	ssyncset.s32 @!p0 $0xFFFFF086;
	s6 =	sadd.s32 @!p0 s3, s7;
	s7 =	simm.s32 @!p0 $0x108  }
0x21: {  	s3 =	sadd.s32 s3, s9;
	s6 =	sadd.s32 @!p0 $0x88, s6;
	s7 =	simm.s32 @p2 $0x1082  }
0x22: {  	[simem:s7], [sflag:s8] =	dma.local @!p0 [hbm:s6], $0xF7A  }
0x23: {  	s9 =	sor.u32 $0xD0000000, s2;
	s6 =	simm.s32 $0x108;
	_ =	swait.ge @!p0 [sflag:s8], $0x0  }
0x24: {  	s3 =	sadd.s32 $0x88, s3;
	s6 =	simm.s32 @!p1 $0x1082;
	[sflag:s4] =	ssyncset.s32 $0xFFFFF086  }
0x25: {  	[simem:s6], [sflag:s4] =	dma.local [hbm:s3], $0xF7A  }
0x26: {  	[smem:$0x3F9E] =	sst s1;
	(tag) =	ssettag s2;
	_ =	strace s9  }
0x27: {  	s1 =	sld [smem:$0x3FAE]  }
0x28: {  	s2 =	sld [smem:$0x3FAF]  }
0x29: {  	s4 =	sld [smem:$0x3FB1]  }
0x2a: {  	p0 =	seq.s32 s5, $0x0;
	s5 =	sld [smem:$0x3FB2]  }
0x2b: {  	s6 =	sld [smem:$0x3FB3]  }
0x2c: {  	s7 =	sld [smem:$0x3FB4]  }
0x2d: {  	s3 =	simm.s32 $0x108;
	s8 =	sld [smem:$0x3FB5]  }
0x2e: {  	s3 =	simm.s32 @!p0 $0x1082;
	s9 =	sld [smem:$0x3FB6]  }
0x2f: {  	lr =	sadd.s32 s0, s3;
	s0 =	sld [smem:$0x3FAD]  }
0x30: {  	s3 =	sld [smem:$0x3FB0]  }
0x31: {  	[smem:$0x3FB9] =	sst s10  }
0x32: {  	s10 =	sld [smem:$0x3FB7];
	_ =	sdelay $0x3  }
0x33: {  	p0 =	seq.s32 s10, $0x1;
	s10 =	sld [smem:$0x3FB9];
	_ =	sdelay $0x3  }
0x34: {  	[smem:$0x3FB9] =	sst s10  }
0x35: {  	s10 =	sld [smem:$0x3FB8];
	_ =	sdelay $0x3  }
0x36: {  	p1 =	seq.s32 s10, $0x1;
	s10 =	sld [smem:$0x3FB9];
	_ =	sdelay $0x3  }
0x37: {  	[smem:$0x3FB9] =	sst s10  }
0x38: {  	s10 =	sld [smem:$0x3FBA]  }
0x39: {  	_ = 	snop;
	(pc) =	sbr.ind lr, $3  }
0x3a: {  	_ = 	snop  }
0x3b: {  	_ = 	snop  }
0x3c: {  	p2 =	seq.s32 s10, $0x1;
	s10 =	sld [smem:$0x3FB9]  }
0x3d: {  	_ =	shalt  }
0x3e: {  	_ =	shalt  }
0x3f: {  	_ =	shalt  }
0x40: {  	_ =	shalt  }
0x41: {  	_ =	shalt  }
0x42: {  	_ =	shalt  }
0x43: {  	_ =	shalt  }
0x44: {  	_ =	shalt  }
0x45: {  	_ =	shalt  }
0x46: {  	_ =	shalt  }
0x47: {  	_ =	shalt  }
0x48: {  	_ =	shalt  }
0x49: {  	_ =	shalt  }
0x4a: {  	_ =	shalt  }
0x4b: {  	_ =	shalt  }
0x4c: {  	_ =	shalt  }
0x4d: {  	_ =	shalt  }
0x4e: {  	_ =	shalt  }
0x4f: {  	_ =	shalt  }
0x50: {  	_ =	shalt  }
0x51: {  	_ =	shalt  }
0x52: {  	_ =	shalt  }
0x53: {  	_ =	shalt  }
0x54: {  	_ =	shalt  }
0x55: {  	_ =	shalt  }
0x56: {  	_ =	shalt  }
0x57: {  	_ =	shalt  }
0x58: {  	_ =	shalt  }
0x59: {  	_ =	shalt  }
0x5a: {  	_ =	shalt  }
0x5b: {  	_ =	shalt  }
0x5c: {  	_ =	shalt  }
0x5d: {  	_ =	shalt  }
0x5e: {  	_ =	shalt  }
0x5f: {  	_ =	shalt  }
0x60: {  	_ =	shalt  }
0x61: {  	_ =	shalt  }
0x62: {  	_ =	shalt  }
0x63: {  	_ =	shalt  }
0x64: {  	_ =	shalt  }
0x65: {  	_ =	shalt  }
0x66: {  	_ =	shalt  }
0x67: {  	_ =	shalt  }
0x68: {  	_ =	shalt  }
0x69: {  	_ =	shalt  }
0x6a: {  	_ =	shalt  }
0x6b: {  	_ =	shalt  }
0x6c: {  	_ =	shalt  }
0x6d: {  	_ =	shalt  }
0x6e: {  	_ =	shalt  }
0x6f: {  	_ =	shalt  }
0x70: {  	_ =	shalt  }
0x71: {  	_ =	shalt  }
0x72: {  	_ =	shalt  }
0x73: {  	_ =	shalt  }
0x74: {  	_ =	shalt  }
0x75: {  	_ =	shalt  }
0x76: {  	_ =	shalt  }
0x77: {  	_ =	shalt  }
0x78: {  	_ =	shalt  }
0x79: {  	_ =	shalt  }
0x7a: {  	_ =	shalt  }
0x7b: {  	_ =	shalt  }
0x7c: {  	_ =	shalt  }
0x7d: {  	_ =	shalt  }
0x7e: {  	_ =	shalt  }
0x7f: {  	_ =	shalt  }
0x80: {  	_ =	shalt  }
0x81: {  	_ =	shalt  }
0x82: {  	_ =	shalt  }
0x83: {  	_ =	shalt  }
0x84: {  	_ =	shalt  }
0x85: {  	_ =	shalt  }
0x86: {  	_ =	shalt  }
0x87: {  	_ =	shalt  }
.Lfunc_end0:
.L_simem_size_0:
called_computation_lowered:
.L_overlay_start_0:
0x88: {  	s2 =	sld [smem:$0x3FD9]  }
0x89: {  	s3 =	sld [smem:$0x3FFE];
	_ =	sdelay $0x1  }
0x8a: {  	s1 =	srdreg.scid  }
0x8b: {  	s0 =	sand.u32 $0x1, s1  }
0x8c: {  	s16 =	sshll.u32 s0, $0xA;
	s2 =	sadd.s32 s3, s2  }
0x8d: {  	s2 =	sadd.s32 s2, s16  }
0x8e: {  	[smem:$0x3FC5] =	sst s2  }
0x8f: {  	_ = 	snop  }
0x90: {  	(tm) =	ssettm $0x1  }
0x91: {  	s17 =	sld [smem:$0x3FFB];
	_ =	sdelay $0x3  }
0x92: {  	_ =	strace s17  }
0x93: {  	s2 =	sld [smem:$0x3FFC];
	_ =	sdelay $0x3  }
0x94: {  	_ =	strace s2  }
0x95: {  	s2 =	sld [smem:$0x3FFD];
	_ =	sdelay $0x3  }
0x96: {  	_ =	strace s2  }
0x97: {  	_ =	strace $0x8FFFFFFF  }
0x98: {  	s18 =	sld [smem:$0x3FDB];
	_ =	sdelay $0x1  }
0x99: {  	s19 =	simm.s32 $_scs_section_size  }
0x9a: {  	s4 =	simm.s32 $_size__tile_overlayer_lowered;
	s5 =	simm.s32 $_tile_overlayer_lowered  }
0x9b: {  	s22 =	simm.s32 $0x1BFF;
	s21 =	sshll.u32 s5, $0x1;
	s2 =	sadd.s32 s19, s18  }
0x9c: {  	s6 =	simm.s32 $0x0;
	s20 =	sshll.u32 s4, $0x1;
	s4 =	sadd.s32 s21, s2  }
0x9d: {  	[timem:s6], [sflag:s22] =	dma.local [hbm:s4], s20  }
0x9e: {  	_ =	swait.ge [sflag:s22], s20  }
0x9f: {  	s3 =	ssub.s32 $0x0, s20;
	[sflag:s22] =	ssyncset.done $0x0  }
0xa0: {  	[sflag:s22] =	ssyncadd.s32 s3;
	_ =	sdelay $0x1  }
0xa1: {  	s23 =	simm.s32 $0x1B8B  }
0xa2: {  	_ =	swait.ge [sflag:s23], $0x1  }
0xa3: {  	[sflag:s23] =	ssyncset.done $0x0  }
0xa4: {  	s25 =	simm.s32 $0x1B8E;
	s24 =	sld [smem:$0x3FFE];
	[sflag:s23] =	ssyncadd.s32 $0xFFFFFFFF  }
0xa5: {  	s26 =	simm.s32 $execute0_lowered;
	[smem:$0x3FD2] =	sst s25  }
0xa6: {  	s4 =	sshll.u32 s26, $0x1;
	_ =	strace $0x80000046;
	[dreg:$0x1] =	wrdreg $0xFFFFFFFF  }
0xa7: {  	s28 =	simm.s32 $_size_execute0_lowered;
	s2 =	sadd.s32 s2, s4;
	[dreg:$0x0] =	wrdreg $0x0  }
0xa8: {  	s4 =	sshll.u32 s28, $0x1;
	[dreg:$0x2] =	wrdreg s2  }
0xa9: {  	[dreg:$0x3] =	wrdreg s4  }
0xaa: {  	[dreg:$0x4] =	wrdreg $0xC0  }
0xab: {  	_ =	task [dreg:s6], $0x5FFFF  }
0xac: {  	[dreg:$0x1] =	wrdreg $0xFFFFFFFF  }
0xad: {  	[dreg:$0x0] =	wrdreg $0x60  }
0xae: {  	[dreg:$0x2] =	wrdreg s24  }
0xaf: {  	[dreg:$0x3] =	wrdreg $0x9  }
0xb0: {  	_ =	task.clear_ibuf [dreg:s6], $0x4FFFF;
	_ =	strace $0x90000046  }
0xb1: {  	s29 =	simm.s32 $0x9;
	_ =	strace $0x80000048  }
0xb2: {  	_ =	swait.ge [sflag:s29], $0x1  }
0xb3: {  	[sflag:s29] =	ssyncadd.s32 $0xFFFFFFFF  }
0xb4: {  	_ =	strace $0x90000048  }
0xb5: {  	_ =	sfence  }
0xb6: {  	s30 =	sld [smem:$0x0];
	_ =	sdelay $0x2  }
0xb7: {  	s31 =	sshll.u32 s1, $0xD;
	s1 =	sshrl.u32 s1, $0x2  }
0xb8: {  	s3 =	sand.u32 $0x4000, s31;
	s1 =	sadd.s32 s1, s30  }
0xb9: {  	s0 =	sor.u32 s3, s0;
	s1 =	sshll.u32 s1, $0x11  }
0xba: {  	s0 =	sor.u32 s1, s0  }
0xbb: {  	s0 =	sadd.s32 $0x8F2B, s0  }
0xbc: {  	[sflag:s0] =	ssyncadd.remote.s32 $0x1  }
0xbd: {  	_ =	sfence.sel $0xFFFF  }
0xbe: {  	[dreg:$0x0] =	wrdreg $0xFFFFFFFF;
	(pc) =	sbr.abs _section_cstart, $3  }
0xbf: {  	[dreg:$0x1] =	wrdreg $0xFFFFFFFF  }
0xc0: {  	_ =	task.clear_ibuf [dreg:s6], $0x2FFFF;
	_ =	strace $0x9FFFFFFF  }
0xc1: {  	(tm) =	ssettm $0x7FFFFFFF  }
tec
execute0_lowered:
.L_overlay_start_1:
0x0: {  	(tag) =	ssettag $0x1  }
0x1: {  	s0 =	srdreg.scid  }
0x2: {  	s6 =	rddreg [dreg:$0x0];
	s1 =	stileid.u32;
	s2 =	simm.s32 $0x0  }
0x3: {  	s11 =	simm.s32 $0x3200;
	s12 =	simm.s32 $0x5200;
	s13 =	simm.s32 $0x7200  }
0x4: {  	s14 =	simm.s32 $0x9200;
	s15 =	simm.s32 $0xB200;
	s16 =	simm.s32 $0x1  }
0x5: {  	s17 =	simm.s32 $0x40;
	s10 =	sand.u32 $0x1, s0;
	s0 =	rddreg [dreg:$0x1]  }
0x6: {  	s18 =	simm.s32 $0x0;
	[smem:$0x7FF] =	sst s2;
	s3 =	sshll.u32 s10, $0x4  }
0x7: {  	s4 =	smul.u32 $0x32000, s1;
	_ =	strace $0x80000047;
	s3 =	sor.u32 s1, s3  }
0x8: {  	s5 =	ssub.s32 $0x2, s10;
	p0 =	sne.s32 s10, $0x0;
	s3 =	smul.u32 $0x640, s3  }
0x9: {  	s10 =	simm.s32 $0x80;
	s8 =	sshrl.u32 s5, $0x1;
	s9 =	sadd.s32 s4, s6  }
0xa: {  	s4 =	smul.u32 $0x3200, s1;
	s8 =	ssub.s32 s5, s8;
	s7 =	sadd.s32 s3, s6  }
0xb: {  	s3 =	sadd.s32 $0xD400, s6;
	s6 =	sadd.s32 $0x7AE608, s6;
	s5 =	sadd.s32 $0xC00, s7  }
0xc: {  	s7 =	smax.u32 s8, $0x1;
	s8 =	sadd.s32 $0x7AE600, s9;
	s9 =	simm.s32 $0x2  }
.LBB2_1:
0xd: {  	[tilespmem:s2], [sflag:$0x2] =	stream.linear.gather [hbm4b:s5+s2], $0x3200, $0x38;
	[tilespmem:$0xD200] =	vst v63  }
0xe: {  	_ =	swait.ge [sflag:s9], $0x3200  }
0xf: {  	[sflag:s9] =	ssyncset.done $0x0  }
0x10: {  	s19 =	simm.s32 $0x0;
	[sflag:s9] =	ssyncadd.s32 $0xFFFFCE00  }
0x11: {  	[tilespmem:s11], [sflag:$0x1] =	stream.indirect.gather [hbm4b:s3+s10], $0x40, s19, s10, $0xb8;
	[tilespmem:$0xD200] =	vst v63  }
0x12: {  	s26 =	simm.s32 $0x80  }
0x13: {  	[tilespmem:s12], [sflag:$0x1] =	stream.indirect.gather [hbm4b:s3+s10], $0x40, s26, s10, $0xb8;
	[tilespmem:$0xD200] =	vst v63  }
0x14: {  	s28 =	simm.s32 $0x100  }
0x15: {  	[tilespmem:s13], [sflag:$0x1] =	stream.indirect.gather [hbm4b:s3+s10], $0x40, s28, s10, $0xb8;
	[tilespmem:$0xD200] =	vst v63  }
0x16: {  	s29 =	simm.s32 $0x180  }
0x17: {  	[tilespmem:s14], [sflag:$0x1] =	stream.indirect.gather [hbm4b:s3+s10], $0x40, s29, s10, $0xb8;
	[tilespmem:$0xD200] =	vst v63  }
0x18: {  	s30 =	simm.s32 $0x200  }
0x19: {  	[tilespmem:s15], [sflag:$0x1] =	stream.indirect.gather [hbm4b:s3+s10], $0x40, s30, s10, $0xb8;
	[tilespmem:$0xD200] =	vst v63  }
0x1a: {  	_ =	swait.ge [sflag:s16], $0x2000  }
0x1b: {  	[sflag:s16] =	ssyncset.done $0x0  }
0x1c: {  	[sflag:s16] =	ssyncadd.s32 $0xFFFFE000  }
0x1d: {  	_ =	swait.ge [sflag:s16], $0x2000  }
0x1e: {  	[sflag:s16] =	ssyncset.done $0x0  }
0x1f: {  	[sflag:s16] =	ssyncadd.s32 $0xFFFFE000  }
0x20: {  	_ =	swait.ge [sflag:s16], $0x2000  }
0x21: {  	[sflag:s16] =	ssyncset.done $0x0  }
0x22: {  	[sflag:s16] =	ssyncadd.s32 $0xFFFFE000  }
0x23: {  	s31 =	smul.u32 $0x280, s2;
	_ =	swait.ge [sflag:s16], $0x2000  }
0x24: {  	[sflag:s16] =	ssyncset.done $0x0  }
0x25: {  	s19 =	sadd.s32 s4, s31;
	[sflag:s16] =	ssyncadd.s32 $0xFFFFE000  }
0x26: {  	s21 =	simm.s32 @!p0 $0x3;
	s19 =	sshll.u32 @p0 s19, $0x4;
	_ =	swait.ge [sflag:s16], $0x2000  }
0x27: {  	s20 =	smov.u32 s8;
	s19 =	sadd.s32 @p0 s19, s6;
	[sflag:s16] =	ssyncset.done $0x0  }
0x28: {  	s21 =	simm.s32 @p0 $0x2;
	s20 =	smov.u32 @p0 s19;
	[sflag:s16] =	ssyncadd.s32 $0xFFFFE000  }
0x29: {  	[hbm4b:s20+s17] =	stream.strided.scatter [tilespmem:s11], [sflag:s21], $0xA000, s10, s17, $0x38;
	[tilespmem:$0xD200] =	vst v63  }
0x2a: {  	s22 =	simm.s32 $0xA00;
	s23 =	simm.s32 $0x1400;
	_ =	swait.ge [sflag:s21], $0xA000  }
0x2b: {  	s19 =	sadd.s32 $0x2800, s8;
	s20 =	simm.s32 $0x1;
	[sflag:s21] =	ssyncset.done $0x0  }
.LBB2_2:
0x2c: {  	s24 =	sshra.s32 s22, $0x2  }
0x2d: {  	[sflag:s21] =	ssyncadd.s32 $0xFFFF6000;
	s22 =	smov.u32 s23;
	s23 =	sadd.s32 $0xA00, s23  }
0x2e: {  	[tilespmem:s11], [sflag:$0x1] =	stream.indirect.gather [hbm4b:s3+s10], $0x40, s24, s10, $0xb8;
	[tilespmem:$0xD200] =	vst v63  }
0x2f: {  	p1 =	sne.s32 s23, $0xC800;
	s25 =	sadd.s32 $0x80, s24  }
0x30: {  	[tilespmem:s12], [sflag:$0x1] =	stream.indirect.gather [hbm4b:s3+s10], $0x40, s25, s10, $0xb8;
	[tilespmem:$0xD200] =	vst v63  }
0x31: {  	s25 =	sadd.s32 $0x100, s24  }
0x32: {  	[tilespmem:s13], [sflag:$0x1] =	stream.indirect.gather [hbm4b:s3+s10], $0x40, s25, s10, $0xb8;
	[tilespmem:$0xD200] =	vst v63  }
0x33: {  	s25 =	sadd.s32 $0x180, s24  }
0x34: {  	[tilespmem:s14], [sflag:$0x1] =	stream.indirect.gather [hbm4b:s3+s10], $0x40, s25, s10, $0xb8;
	[tilespmem:$0xD200] =	vst v63  }
0x35: {  	s24 =	sadd.s32 $0x200, s24  }
0x36: {  	[tilespmem:s15], [sflag:$0x1] =	stream.indirect.gather [hbm4b:s3+s10], $0x40, s24, s10, $0xb8;
	[tilespmem:$0xD200] =	vst v63  }
0x37: {  	_ =	swait.ge [sflag:s16], $0x2000  }
0x38: {  	[sflag:s16] =	ssyncset.done $0x0  }
0x39: {  	[sflag:s16] =	ssyncadd.s32 $0xFFFFE000  }
0x3a: {  	_ =	swait.ge [sflag:s16], $0x2000  }
0x3b: {  	[sflag:s16] =	ssyncset.done $0x0  }
0x3c: {  	[sflag:s16] =	ssyncadd.s32 $0xFFFFE000  }
0x3d: {  	_ =	swait.ge [sflag:s16], $0x2000  }
0x3e: {  	[sflag:s16] =	ssyncset.done $0x0  }
0x3f: {  	[sflag:s16] =	ssyncadd.s32 $0xFFFFE000  }
0x40: {  	s24 =	smul.u32 $0x280, s20;
	_ =	swait.ge [sflag:s16], $0x2000  }
0x41: {  	[sflag:s16] =	ssyncset.done $0x0  }
0x42: {  	s24 =	sadd.s32 s4, s24;
	[sflag:s16] =	ssyncadd.s32 $0xFFFFE000  }
0x43: {  	s25 =	smov.u32 s19;
	s24 =	sshll.u32 @p0 s24, $0x4;
	_ =	swait.ge [sflag:s16], $0x2000  }
.Ltmp0:
0x44: {  	s24 =	sadd.s32 @p0 s24, s6;
	[sflag:s16] =	ssyncset.done $0x0;
	(pc) =	sbr.rel @p1 .LBB2_2-.Ltmp0, $4  }
0x45: {  	s25 =	smov.u32 @p0 s24;
	[sflag:s16] =	ssyncadd.s32 $0xFFFFE000  }
0x46: {  	[hbm4b:s25+s17] =	stream.strided.scatter [tilespmem:s11], [sflag:s21], $0xA000, s10, s17, $0x38;
	[tilespmem:$0xD200] =	vst v63  }
0x47: {  	_ =	swait.ge [sflag:s21], $0xA000  }
0x48: {  	s19 =	sadd.s32 $0x2800, s19;
	s20 =	sadd.s32 $0x1, s20;
	[sflag:s21] =	ssyncset.done $0x0  }
0x49: {  	s22 =	sshra.s32 s22, $0x2;
	[sflag:s21] =	ssyncadd.s32 $0xFFFF6000  }
0x4a: {  	[tilespmem:s11], [sflag:$0x1] =	stream.indirect.gather [hbm4b:s3+s10], $0x40, s22, s10, $0xb8;
	[tilespmem:$0xD200] =	vst v63  }
0x4b: {  	s28 =	sadd.s32 $0x80, s22  }
0x4c: {  	[tilespmem:s12], [sflag:$0x1] =	stream.indirect.gather [hbm4b:s3+s10], $0x40, s28, s10, $0xb8;
	[tilespmem:$0xD200] =	vst v63  }
0x4d: {  	s29 =	sadd.s32 $0x100, s22  }
0x4e: {  	[tilespmem:s13], [sflag:$0x1] =	stream.indirect.gather [hbm4b:s3+s10], $0x40, s29, s10, $0xb8;
	[tilespmem:$0xD200] =	vst v63  }
0x4f: {  	s30 =	sadd.s32 $0x180, s22  }
0x50: {  	[tilespmem:s14], [sflag:$0x1] =	stream.indirect.gather [hbm4b:s3+s10], $0x40, s30, s10, $0xb8;
	[tilespmem:$0xD200] =	vst v63  }
0x51: {  	s31 =	sadd.s32 $0x200, s22  }
0x52: {  	[tilespmem:s15], [sflag:$0x1] =	stream.indirect.gather [hbm4b:s3+s10], $0x40, s31, s10, $0xb8;
	[tilespmem:$0xD200] =	vst v63  }
0x53: {  	_ =	swait.ge [sflag:s16], $0x2000  }
0x54: {  	[sflag:s16] =	ssyncset.done $0x0  }
0x55: {  	[sflag:s16] =	ssyncadd.s32 $0xFFFFE000  }
0x56: {  	_ =	swait.ge [sflag:s16], $0x2000  }
0x57: {  	[sflag:s16] =	ssyncset.done $0x0  }
0x58: {  	[sflag:s16] =	ssyncadd.s32 $0xFFFFE000  }
0x59: {  	_ =	swait.ge [sflag:s16], $0x2000  }
0x5a: {  	[sflag:s16] =	ssyncset.done $0x0  }
0x5b: {  	[sflag:s16] =	ssyncadd.s32 $0xFFFFE000  }
0x5c: {  	s20 =	smul.u32 $0x280, s20;
	_ =	swait.ge [sflag:s16], $0x2000  }
0x5d: {  	s21 =	simm.s32 @!p0 $0x3;
	[sflag:s16] =	ssyncset.done $0x0  }
0x5e: {  	s18 =	sadd.s32 $0x1, s18;
	s20 =	sadd.s32 s4, s20;
	[sflag:s16] =	ssyncadd.s32 $0xFFFFE000  }
0x5f: {  	s21 =	simm.s32 @p0 $0x2;
	s20 =	sshll.u32 @p0 s20, $0x4;
	_ =	swait.ge [sflag:s16], $0x2000  }
0x60: {  	p1 =	sne.s32 s18, s7;
	s20 =	sadd.s32 @p0 s20, s6;
	[sflag:s16] =	ssyncset.done $0x0  }
.Ltmp1:
0x61: {  	s19 =	smov.u32 @p0 s20;
	[sflag:s16] =	ssyncadd.s32 $0xFFFFE000;
	(pc) =	sbr.rel @p1 .LBB2_1-.Ltmp1, $4  }
0x62: {  	[hbm4b:s19+s17] =	stream.strided.scatter [tilespmem:s11], [sflag:s21], $0xA000, s10, s17, $0x38;
	[tilespmem:$0xD200] =	vst v63  }
0x63: {  	_ =	swait.ge [sflag:s21], $0xA000  }
0x64: {  	[sflag:s21] =	ssyncset.done $0x0  }
0x65: {  	[sflag:s21] =	ssyncadd.s32 $0xFFFF6000  }
0x66: {  	_ =	sfence.sel $0x180000  }
0x67: {  	[bflag:$0x0] =	sbarrier.arrive $0xFFFF  }
0x68: {  	p0 =	sne.s32 s1, $0x0;
	_ =	strace $0x90000047  }
0x69: {  	s0 =	sadd.s32 @!p0 $0x100000, s0;
	[bflag:$0x2] =	sbarrier.arrive $0xFFFF  }
0x6a: {  	[sflag:s0] =	ssyncadd.tile.s32 @!p0 $0x1;
	_ =	shalt  }
.Lfunc_end2:
_tile_overlayer_lowered:
.L_overlay_start_2:
0x6b: {  	(tag) =	ssettag $0x2  }
0x6c: {  	s0 =	rddreg [dreg:$0x0];
	s2 =	stileid.u32  }
0x6d: {  	s1 =	rddreg [dreg:$0x1];
	p0 =	sne.s32 s2, $0x0  }
0x6e: {  	s3 =	rddreg [dreg:$0x2];
	[bflag:$0x3] =	sbarrier.arrive $0xFFFF;
	s2 =	simm.s32 @!p0 $0x1C02  }
0x6f: {  	[timem:s3], [sflag:s2] =	dma.local @!p0 [hbm:s0], s1  }
0x70: {  	s0 =	simm.s32 @!p0 $0x2  }
0x71: {  	_ =	swait.ge @!p0 [sflag:s0], s1  }
0x72: {  	s1 =	ssub.s32 @!p0 $0x0, s1;
	[sflag:s0] =	ssyncset.done @!p0 $0x0  }
0x73: {  	[sflag:s0] =	ssyncadd.s32 @!p0 s1  }
0x74: {  	[bflag:$0x3] =	sbarrier.arrive $0xFFFF  }
0x75: {  	_ =	shalt  }

// kernel: kernel.9.cloned.1.call-start
scs
__scs_entry_jumppad:
0x0: {  	(pc) =	sbr.rel $0x88, $3  }
0x1: {  	(tag) =	ssettag $0x0;
	lr =	simm.s32 $0x1  }
0x2: {  	[smem:$0x3F9E] =	sst lr;
	_ =	strace $0xD0000000  }
0x3: {  	_ = 	snop  }
0x4: {  	_ = 	snop  }
0x5: {  	_ = 	snop  }
0x6: {  	_ = 	snop  }
0x7: {  	_ = 	snop  }
__scs_overlays_trampoline_lowered:
0x8: {  	[smem:$0x3FAD] =	sst s0  }
0x9: {  	[smem:$0x3FAE] =	sst s1  }
0xa: {  	[smem:$0x3FAF] =	sst s2  }
0xb: {  	[smem:$0x3FB0] =	sst s3  }
0xc: {  	[smem:$0x3FB1] =	sst s4  }
0xd: {  	[smem:$0x3FB2] =	sst s5  }
0xe: {  	[smem:$0x3FB3] =	sst s6  }
0xf: {  	[smem:$0x3FB4] =	sst s7  }
0x10: {  	[smem:$0x3FB5] =	sst s8  }
0x11: {  	[smem:$0x3FB6] =	sst s9;
	s0 =	simm.s32 @!p0 $0x0  }
0x12: {  	s1 =	sld [smem:$0x3F9C];
	s0 =	simm.s32 @p0 $0x1  }
0x13: {  	[smem:$0x3FB7] =	sst s0;
	s0 =	simm.s32 @!p1 $0x0  }
0x14: {  	s2 =	sld [smem:$0x3F9B];
	s0 =	simm.s32 @p1 $0x1  }
0x15: {  	[smem:$0x3FB8] =	sst s0;
	s0 =	simm.s32 @!p2 $0x0  }
0x16: {  	s3 =	sld [smem:$0x3FDB];
	s0 =	simm.s32 @p2 $0x1  }
0x17: {  	s4 =	simm.s32 $0x1BF5;
	[smem:$0x3FBA] =	sst s0  }
0x18: {  	s0 =	sld [smem:$0x3F9D];
	_ =	swait.ge [sflag:s4], $0x0  }
0x19: {  	s7 =	sld [smem:$0x3F9E]  }
0x1a: {  	s8 =	sadd.s32 $0xFFFFE003, lr  }
0x1b: {  	s9 =	sadd.s32 $0xFFFFFEF7, lr;
	s5 =	simm.s32 $0xFFFFFFFF;
	p2 =	slt.u32 s8, $0xFFFFF086  }
0x1c: {  	p1 =	slt.u32 s9, $0xF7A;
	s5 =	simm.s32 @!p2 $0x0  }
0x1d: {  	s5 =	simm.s32 @p1 $0x1;
	p0 =	seq.s32 s7, s2  }
0x1e: {  	s7 =	smul.u32 @!p0 $0xF7A, s2;
	p2 =	seq.s32 @!p0 s5, $0x0  }
0x1f: {  	s9 =	smul.u32 $0xF7A, s1;
	s8 =	simm.s32 @!p0 $0x1BF5;
	p2 =	por !p2, p0  }
0x20: {  	[sflag:s8] =	ssyncset.s32 @!p0 $0xFFFFF086;
	s6 =	sadd.s32 @!p0 s3, s7;
	s7 =	simm.s32 @!p0 $0x108  }
0x21: {  	s3 =	sadd.s32 s3, s9;
	s6 =	sadd.s32 @!p0 $0x88, s6;
	s7 =	simm.s32 @p2 $0x1082  }
0x22: {  	[simem:s7], [sflag:s8] =	dma.local @!p0 [hbm:s6], $0xF7A  }
0x23: {  	s9 =	sor.u32 $0xD0000000, s2;
	s6 =	simm.s32 $0x108;
	_ =	swait.ge @!p0 [sflag:s8], $0x0  }
0x24: {  	s3 =	sadd.s32 $0x88, s3;
	s6 =	simm.s32 @!p1 $0x1082;
	[sflag:s4] =	ssyncset.s32 $0xFFFFF086  }
0x25: {  	[simem:s6], [sflag:s4] =	dma.local [hbm:s3], $0xF7A  }
0x26: {  	[smem:$0x3F9E] =	sst s1;
	(tag) =	ssettag s2;
	_ =	strace s9  }
0x27: {  	s1 =	sld [smem:$0x3FAE]  }
0x28: {  	s2 =	sld [smem:$0x3FAF]  }
0x29: {  	s4 =	sld [smem:$0x3FB1]  }
0x2a: {  	p0 =	seq.s32 s5, $0x0;
	s5 =	sld [smem:$0x3FB2]  }
0x2b: {  	s6 =	sld [smem:$0x3FB3]  }
0x2c: {  	s7 =	sld [smem:$0x3FB4]  }
0x2d: {  	s3 =	simm.s32 $0x108;
	s8 =	sld [smem:$0x3FB5]  }
0x2e: {  	s3 =	simm.s32 @!p0 $0x1082;
	s9 =	sld [smem:$0x3FB6]  }
0x2f: {  	lr =	sadd.s32 s0, s3;
	s0 =	sld [smem:$0x3FAD]  }
0x30: {  	s3 =	sld [smem:$0x3FB0]  }
0x31: {  	[smem:$0x3FB9] =	sst s10  }
0x32: {  	s10 =	sld [smem:$0x3FB7];
	_ =	sdelay $0x3  }
0x33: {  	p0 =	seq.s32 s10, $0x1;
	s10 =	sld [smem:$0x3FB9];
	_ =	sdelay $0x3  }
0x34: {  	[smem:$0x3FB9] =	sst s10  }
0x35: {  	s10 =	sld [smem:$0x3FB8];
	_ =	sdelay $0x3  }
0x36: {  	p1 =	seq.s32 s10, $0x1;
	s10 =	sld [smem:$0x3FB9];
	_ =	sdelay $0x3  }
0x37: {  	[smem:$0x3FB9] =	sst s10  }
0x38: {  	s10 =	sld [smem:$0x3FBA]  }
0x39: {  	_ = 	snop;
	(pc) =	sbr.ind lr, $3  }
0x3a: {  	_ = 	snop  }
0x3b: {  	_ = 	snop  }
0x3c: {  	p2 =	seq.s32 s10, $0x1;
	s10 =	sld [smem:$0x3FB9]  }
0x3d: {  	_ =	shalt  }
0x3e: {  	_ =	shalt  }
0x3f: {  	_ =	shalt  }
0x40: {  	_ =	shalt  }
0x41: {  	_ =	shalt  }
0x42: {  	_ =	shalt  }
0x43: {  	_ =	shalt  }
0x44: {  	_ =	shalt  }
0x45: {  	_ =	shalt  }
0x46: {  	_ =	shalt  }
0x47: {  	_ =	shalt  }
0x48: {  	_ =	shalt  }
0x49: {  	_ =	shalt  }
0x4a: {  	_ =	shalt  }
0x4b: {  	_ =	shalt  }
0x4c: {  	_ =	shalt  }
0x4d: {  	_ =	shalt  }
0x4e: {  	_ =	shalt  }
0x4f: {  	_ =	shalt  }
0x50: {  	_ =	shalt  }
0x51: {  	_ =	shalt  }
0x52: {  	_ =	shalt  }
0x53: {  	_ =	shalt  }
0x54: {  	_ =	shalt  }
0x55: {  	_ =	shalt  }
0x56: {  	_ =	shalt  }
0x57: {  	_ =	shalt  }
0x58: {  	_ =	shalt  }
0x59: {  	_ =	shalt  }
0x5a: {  	_ =	shalt  }
0x5b: {  	_ =	shalt  }
0x5c: {  	_ =	shalt  }
0x5d: {  	_ =	shalt  }
0x5e: {  	_ =	shalt  }
0x5f: {  	_ =	shalt  }
0x60: {  	_ =	shalt  }
0x61: {  	_ =	shalt  }
0x62: {  	_ =	shalt  }
0x63: {  	_ =	shalt  }
0x64: {  	_ =	shalt  }
0x65: {  	_ =	shalt  }
0x66: {  	_ =	shalt  }
0x67: {  	_ =	shalt  }
0x68: {  	_ =	shalt  }
0x69: {  	_ =	shalt  }
0x6a: {  	_ =	shalt  }
0x6b: {  	_ =	shalt  }
0x6c: {  	_ =	shalt  }
0x6d: {  	_ =	shalt  }
0x6e: {  	_ =	shalt  }
0x6f: {  	_ =	shalt  }
0x70: {  	_ =	shalt  }
0x71: {  	_ =	shalt  }
0x72: {  	_ =	shalt  }
0x73: {  	_ =	shalt  }
0x74: {  	_ =	shalt  }
0x75: {  	_ =	shalt  }
0x76: {  	_ =	shalt  }
0x77: {  	_ =	shalt  }
0x78: {  	_ =	shalt  }
0x79: {  	_ =	shalt  }
0x7a: {  	_ =	shalt  }
0x7b: {  	_ =	shalt  }
0x7c: {  	_ =	shalt  }
0x7d: {  	_ =	shalt  }
0x7e: {  	_ =	shalt  }
0x7f: {  	_ =	shalt  }
0x80: {  	_ =	shalt  }
0x81: {  	_ =	shalt  }
0x82: {  	_ =	shalt  }
0x83: {  	_ =	shalt  }
0x84: {  	_ =	shalt  }
0x85: {  	_ =	shalt  }
0x86: {  	_ =	shalt  }
0x87: {  	_ =	shalt  }
.Lfunc_end0:
.L_simem_size_0:
called_computation.1_lowered:
.L_overlay_start_0:
0x88: {  	s2 =	sld [smem:$0x3FD9]  }
0x89: {  	s3 =	sld [smem:$0x3FFE];
	_ =	sdelay $0x1  }
0x8a: {  	s1 =	srdreg.scid  }
0x8b: {  	s0 =	sand.u32 $0x1, s1  }
0x8c: {  	s17 =	sshll.u32 s0, $0xA;
	s2 =	sadd.s32 s3, s2  }
0x8d: {  	s2 =	sadd.s32 s2, s17  }
0x8e: {  	[smem:$0x3FC5] =	sst s2  }
0x8f: {  	_ = 	snop  }
0x90: {  	(tm) =	ssettm $0x1  }
0x91: {  	s18 =	sld [smem:$0x3FFB];
	_ =	sdelay $0x3  }
0x92: {  	_ =	strace s18  }
0x93: {  	s2 =	sld [smem:$0x3FFC];
	_ =	sdelay $0x3  }
0x94: {  	_ =	strace s2  }
0x95: {  	s2 =	sld [smem:$0x3FFD];
	_ =	sdelay $0x3  }
0x96: {  	_ =	strace s2  }
0x97: {  	_ =	strace $0x8FFFFFFF  }
0x98: {  	s19 =	sld [smem:$0x3FDB];
	_ =	sdelay $0x1  }
0x99: {  	s20 =	simm.s32 $_scs_section_size  }
0x9a: {  	s4 =	simm.s32 $_size__tile_overlayer_lowered;
	s5 =	simm.s32 $_tile_overlayer_lowered  }
0x9b: {  	s6 =	simm.s32 $0x1BFF;
	s21 =	sshll.u32 s5, $0x1;
	s3 =	sadd.s32 s20, s19  }
0x9c: {  	s22 =	simm.s32 $0x0;
	s4 =	sshll.u32 s4, $0x1;
	s5 =	sadd.s32 s21, s3  }
0x9d: {  	[timem:s22], [sflag:s6] =	dma.local [hbm:s5], s4  }
0x9e: {  	_ =	swait.ge [sflag:s6], s4  }
0x9f: {  	s4 =	ssub.s32 $0x0, s4;
	[sflag:s6] =	ssyncset.done $0x0  }
0xa0: {  	[sflag:s6] =	ssyncadd.s32 s4;
	_ =	sdelay $0x1  }
0xa1: {  	s23 =	simm.s32 $0x1B8B  }
0xa2: {  	_ =	swait.ge [sflag:s23], $0x1  }
0xa3: {  	[sflag:s23] =	ssyncset.done $0x0  }
0xa4: {  	[sflag:s23] =	ssyncadd.s32 $0xFFFFFFFF  }
0xa5: {  	s4 =	sld [smem:$0x0]  }
0xa6: {  	s5 =	sand.u32 $0xFFFFFFFE, s1  }
0xa7: {  	p0 =	sne.s32 s1, s5  }
0xa8: {  	s5 =	sshll.u32 @p0 s5, $0xE  }
0xa9: {  	s5 =	sadd.s32 @p0 $0x11B8D, s5;
	s6 =	sshll.u32 @p0 s4, $0x11  }
0xaa: {  	s5 =	sor.u32 @p0 s6, s5  }
0xab: {  	[sflag:s5] =	ssyncadd.remote.s32 @p0 $0x1;
	_ =	sdelay $0x1  }
0xac: {  	s5 =	simm.s32 @p0 $0x1B8D  }
0xad: {  	_ =	swait.eq @p0 [sflag:s5], $0x1  }
0xae: {  	[sflag:s5] =	ssyncadd.s32 @p0 $0xFFFFFFFF  }
0xaf: {  	s6 =	sshll.u32 @!p0 s1, $0xE  }
0xb0: {  	s6 =	sor.u32 @!p0 $0x4000, s6;
	s5 =	simm.s32 @!p0 $0x1B8D  }
0xb1: {  	s4 =	sshll.u32 @!p0 s4, $0x11;
	s6 =	sadd.s32 @!p0 $0x11B8D, s6;
	_ =	swait.eq @!p0 [sflag:s5], $0x1  }
0xb2: {  	s4 =	sor.u32 @!p0 s4, s6;
	[sflag:s5] =	ssyncadd.s32 @!p0 $0xFFFFFFFF  }
0xb3: {  	s25 =	simm.s32 $0x1B8E;
	s24 =	sld [smem:$0x3FFE];
	[sflag:s4] =	ssyncadd.remote.s32 @!p0 $0x1  }
0xb4: {  	s26 =	simm.s32 $execute0_lowered;
	[smem:$0x3FD2] =	sst s25  }
0xb5: {  	s5 =	sshll.u32 s26, $0x1;
	_ =	strace $0x80000049;
	[dreg:$0x1] =	wrdreg $0xFFFFFFFF  }
0xb6: {  	s28 =	simm.s32 $_size_execute0_lowered;
	s3 =	sadd.s32 s3, s5;
	[dreg:$0x0] =	wrdreg $0x0  }
0xb7: {  	s5 =	sshll.u32 s28, $0x1;
	[dreg:$0x2] =	wrdreg s3  }
0xb8: {  	[dreg:$0x3] =	wrdreg s5  }
0xb9: {  	[dreg:$0x4] =	wrdreg $0xC0  }
0xba: {  	_ =	task [dreg:s22], $0x5FFFF  }
0xbb: {  	[dreg:$0x1] =	wrdreg $0xFFFFFFFF  }
0xbc: {  	[dreg:$0x0] =	wrdreg $0x60  }
0xbd: {  	[dreg:$0x2] =	wrdreg s24  }
0xbe: {  	[dreg:$0x3] =	wrdreg $0xA  }
0xbf: {  	_ =	task.clear_ibuf [dreg:s22], $0x4FFFF;
	_ =	strace $0x90000049  }
0xc0: {  	s29 =	simm.s32 $0xA;
	_ =	strace $0x8000004B  }
0xc1: {  	_ =	swait.ge [sflag:s29], $0x1  }
0xc2: {  	[sflag:s29] =	ssyncadd.s32 $0xFFFFFFFF  }
0xc3: {  	_ =	strace $0x9000004B  }
0xc4: {  	_ =	sfence  }
0xc5: {  	s30 =	sld [smem:$0x0];
	_ =	sdelay $0x2  }
0xc6: {  	s31 =	sshll.u32 s1, $0xD;
	s1 =	sshrl.u32 s1, $0x2  }
0xc7: {  	s4 =	sand.u32 $0x4000, s31;
	s1 =	sadd.s32 s1, s30  }
0xc8: {  	s0 =	sor.u32 s4, s0;
	s1 =	sshll.u32 s1, $0x11  }
0xc9: {  	s0 =	sor.u32 s1, s0  }
0xca: {  	s0 =	sadd.s32 $0x8F2B, s0  }
0xcb: {  	[sflag:s0] =	ssyncadd.remote.s32 $0x1  }
0xcc: {  	_ =	sfence.sel $0xFFFF  }
0xcd: {  	[dreg:$0x0] =	wrdreg $0xFFFFFFFF;
	(pc) =	sbr.abs _section_cstart, $3  }
0xce: {  	[dreg:$0x1] =	wrdreg $0xFFFFFFFF  }
0xcf: {  	_ =	task.clear_ibuf [dreg:s22], $0x2FFFF;
	_ =	strace $0x9FFFFFFF  }
0xd0: {  	(tm) =	ssettm $0x7FFFFFFF  }
0xd1: {  	_ =	shalt  }
tec
execute0_lowered:
.L_overlay_start_1:
0x0: {  	(tag) =	ssettag $0x1  }
0x1: {  	s0 =	srdreg.scid  }
0x2: {  	s6 =	rddreg [dreg:$0x0];
	s1 =	stileid.u32;
	s2 =	simm.s32 $0x0  }
0x3: {  	s11 =	simm.s32 $0x3200;
	s12 =	simm.s32 $0x5200;
	s13 =	simm.s32 $0x7200  }
0x4: {  	s14 =	simm.s32 $0x9200;
	s15 =	simm.s32 $0xB200;
	s16 =	simm.s32 $0x1  }
0x5: {  	s17 =	simm.s32 $0x40;
	s10 =	sand.u32 $0x1, s0;
	s0 =	rddreg [dreg:$0x1]  }
0x6: {  	s18 =	simm.s32 $0x0;
	[smem:$0x7FF] =	sst s2;
	s3 =	sshll.u32 s10, $0x4  }
0x7: {  	s4 =	smul.u32 $0x32000, s1;
	_ =	strace $0x8000004A;
	s3 =	sor.u32 s1, s3  }
0x8: {  	s5 =	ssub.s32 $0x2, s10;
	p0 =	sne.s32 s10, $0x0;
	s3 =	smul.u32 $0x640, s3  }
0x9: {  	s10 =	simm.s32 $0x80;
	s8 =	sshrl.u32 s5, $0x1;
	s9 =	sadd.s32 s4, s6  }
0xa: {  	s4 =	smul.u32 $0x3200, s1;
	s7 =	sadd.s32 s3, s6;
	s3 =	sadd.s32 $0xD400, s6  }
0xb: {  	s8 =	ssub.s32 s5, s8;
	s6 =	sadd.s32 $0xADAE08, s6;
	s5 =	sadd.s32 $0xACE600, s7  }
0xc: {  	s7 =	smax.u32 s8, $0x1;
	s8 =	sadd.s32 $0xADAE00, s9;
	s9 =	simm.s32 $0x2  }
.LBB2_1:
0xd: {  	[tilespmem:s2], [sflag:$0x2] =	stream.linear.gather [hbm4b:s5+s2], $0x3200, $0x38;
	[tilespmem:$0xD200] =	vst v63  }
0xe: {  	_ =	swait.ge [sflag:s9], $0x3200  }
0xf: {  	[sflag:s9] =	ssyncset.done $0x0  }
0x10: {  	s19 =	simm.s32 $0x0;
	[sflag:s9] =	ssyncadd.s32 $0xFFFFCE00  }
0x11: {  	[tilespmem:s11], [sflag:$0x1] =	stream.indirect.gather [hbm4b:s3+s10], $0x40, s19, s10, $0xb8;
	[tilespmem:$0xD200] =	vst v63  }
0x12: {  	s26 =	simm.s32 $0x80  }
0x13: {  	[tilespmem:s12], [sflag:$0x1] =	stream.indirect.gather [hbm4b:s3+s10], $0x40, s26, s10, $0xb8;
	[tilespmem:$0xD200] =	vst v63  }
0x14: {  	s28 =	simm.s32 $0x100  }
0x15: {  	[tilespmem:s13], [sflag:$0x1] =	stream.indirect.gather [hbm4b:s3+s10], $0x40, s28, s10, $0xb8;
	[tilespmem:$0xD200] =	vst v63  }
0x16: {  	s29 =	simm.s32 $0x180  }
0x17: {  	[tilespmem:s14], [sflag:$0x1] =	stream.indirect.gather [hbm4b:s3+s10], $0x40, s29, s10, $0xb8;
	[tilespmem:$0xD200] =	vst v63  }
0x18: {  	s30 =	simm.s32 $0x200  }
0x19: {  	[tilespmem:s15], [sflag:$0x1] =	stream.indirect.gather [hbm4b:s3+s10], $0x40, s30, s10, $0xb8;
	[tilespmem:$0xD200] =	vst v63  }
0x1a: {  	_ =	swait.ge [sflag:s16], $0x2000  }
0x1b: {  	[sflag:s16] =	ssyncset.done $0x0  }
0x1c: {  	[sflag:s16] =	ssyncadd.s32 $0xFFFFE000  }
0x1d: {  	_ =	swait.ge [sflag:s16], $0x2000  }
0x1e: {  	[sflag:s16] =	ssyncset.done $0x0  }
0x1f: {  	[sflag:s16] =	ssyncadd.s32 $0xFFFFE000  }
0x20: {  	_ =	swait.ge [sflag:s16], $0x2000  }
0x21: {  	[sflag:s16] =	ssyncset.done $0x0  }
0x22: {  	[sflag:s16] =	ssyncadd.s32 $0xFFFFE000  }
0x23: {  	s31 =	smul.u32 $0x280, s2;
	_ =	swait.ge [sflag:s16], $0x2000  }
0x24: {  	[sflag:s16] =	ssyncset.done $0x0  }
0x25: {  	s19 =	sadd.s32 s4, s31;
	[sflag:s16] =	ssyncadd.s32 $0xFFFFE000  }
0x26: {  	s21 =	simm.s32 @!p0 $0x3;
	s19 =	sshll.u32 @p0 s19, $0x4;
	_ =	swait.ge [sflag:s16], $0x2000  }
0x27: {  	s20 =	smov.u32 s8;
	s19 =	sadd.s32 @p0 s19, s6;
	[sflag:s16] =	ssyncset.done $0x0  }
0x28: {  	s21 =	simm.s32 @p0 $0x2;
	s20 =	smov.u32 @p0 s19;
	[sflag:s16] =	ssyncadd.s32 $0xFFFFE000  }
0x29: {  	[hbm4b:s20+s17] =	stream.strided.scatter [tilespmem:s11], [sflag:s21], $0xA000, s10, s17, $0x38;
	[tilespmem:$0xD200] =	vst v63  }
0x2a: {  	s22 =	simm.s32 $0xA00;
	s23 =	simm.s32 $0x1400;
	_ =	swait.ge [sflag:s21], $0xA000  }
0x2b: {  	s19 =	sadd.s32 $0x2800, s8;
	s20 =	simm.s32 $0x1;
	[sflag:s21] =	ssyncset.done $0x0  }
.LBB2_2:
0x2c: {  	s24 =	sshra.s32 s22, $0x2  }
0x2d: {  	[sflag:s21] =	ssyncadd.s32 $0xFFFF6000;
	s22 =	smov.u32 s23;
	s23 =	sadd.s32 $0xA00, s23  }
0x2e: {  	[tilespmem:s11], [sflag:$0x1] =	stream.indirect.gather [hbm4b:s3+s10], $0x40, s24, s10, $0xb8;
	[tilespmem:$0xD200] =	vst v63  }
0x2f: {  	p1 =	sne.s32 s23, $0xC800;
	s25 =	sadd.s32 $0x80, s24  }
0x30: {  	[tilespmem:s12], [sflag:$0x1] =	stream.indirect.gather [hbm4b:s3+s10], $0x40, s25, s10, $0xb8;
	[tilespmem:$0xD200] =	vst v63  }
0x31: {  	s25 =	sadd.s32 $0x100, s24  }
0x32: {  	[tilespmem:s13], [sflag:$0x1] =	stream.indirect.gather [hbm4b:s3+s10], $0x40, s25, s10, $0xb8;
	[tilespmem:$0xD200] =	vst v63  }
0x33: {  	s25 =	sadd.s32 $0x180, s24  }
0x34: {  	[tilespmem:s14], [sflag:$0x1] =	stream.indirect.gather [hbm4b:s3+s10], $0x40, s25, s10, $0xb8;
	[tilespmem:$0xD200] =	vst v63  }
0x35: {  	s24 =	sadd.s32 $0x200, s24  }
0x36: {  	[tilespmem:s15], [sflag:$0x1] =	stream.indirect.gather [hbm4b:s3+s10], $0x40, s24, s10, $0xb8;
	[tilespmem:$0xD200] =	vst v63  }
0x37: {  	_ =	swait.ge [sflag:s16], $0x2000  }
0x38: {  	[sflag:s16] =	ssyncset.done $0x0  }
0x39: {  	[sflag:s16] =	ssyncadd.s32 $0xFFFFE000  }
0x3a: {  	_ =	swait.ge [sflag:s16], $0x2000  }
0x3b: {  	[sflag:s16] =	ssyncset.done $0x0  }
0x3c: {  	[sflag:s16] =	ssyncadd.s32 $0xFFFFE000  }
0x3d: {  	_ =	swait.ge [sflag:s16], $0x2000  }
0x3e: {  	[sflag:s16] =	ssyncset.done $0x0  }
0x3f: {  	[sflag:s16] =	ssyncadd.s32 $0xFFFFE000  }
0x40: {  	s24 =	smul.u32 $0x280, s20;
	_ =	swait.ge [sflag:s16], $0x2000  }
0x41: {  	[sflag:s16] =	ssyncset.done $0x0  }
0x42: {  	s24 =	sadd.s32 s4, s24;
	[sflag:s16] =	ssyncadd.s32 $0xFFFFE000  }
0x43: {  	s25 =	smov.u32 s19;
	s24 =	sshll.u32 @p0 s24, $0x4;
	_ =	swait.ge [sflag:s16], $0x2000  }
.Ltmp0:
0x44: {  	s24 =	sadd.s32 @p0 s24, s6;
	[sflag:s16] =	ssyncset.done $0x0;
	(pc) =	sbr.rel @p1 .LBB2_2-.Ltmp0, $4  }
0x45: {  	s25 =	smov.u32 @p0 s24;
	[sflag:s16] =	ssyncadd.s32 $0xFFFFE000  }
0x46: {  	[hbm4b:s25+s17] =	stream.strided.scatter [tilespmem:s11], [sflag:s21], $0xA000, s10, s17, $0x38;
	[tilespmem:$0xD200] =	vst v63  }
0x47: {  	_ =	swait.ge [sflag:s21], $0xA000  }
0x48: {  	s19 =	sadd.s32 $0x2800, s19;
	s20 =	sadd.s32 $0x1, s20;
	[sflag:s21] =	ssyncset.done $0x0  }
0x49: {  	s22 =	sshra.s32 s22, $0x2;
	[sflag:s21] =	ssyncadd.s32 $0xFFFF6000  }
0x4a: {  	[tilespmem:s11], [sflag:$0x1] =	stream.indirect.gather [hbm4b:s3+s10], $0x40, s22, s10, $0xb8;
	[tilespmem:$0xD200] =	vst v63  }
0x4b: {  	s28 =	sadd.s32 $0x80, s22  }
0x4c: {  	[tilespmem:s12], [sflag:$0x1] =	stream.indirect.gather [hbm4b:s3+s10], $0x40, s28, s10, $0xb8;
	[tilespmem:$0xD200] =	vst v63  }
0x4d: {  	s29 =	sadd.s32 $0x100, s22  }
0x4e: {  	[tilespmem:s13], [sflag:$0x1] =	stream.indirect.gather [hbm4b:s3+s10], $0x40, s29, s10, $0xb8;
	[tilespmem:$0xD200] =	vst v63  }
0x4f: {  	s30 =	sadd.s32 $0x180, s22  }
0x50: {  	[tilespmem:s14], [sflag:$0x1] =	stream.indirect.gather [hbm4b:s3+s10], $0x40, s30, s10, $0xb8;
	[tilespmem:$0xD200] =	vst v63  }
0x51: {  	s31 =	sadd.s32 $0x200, s22  }
0x52: {  	[tilespmem:s15], [sflag:$0x1] =	stream.indirect.gather [hbm4b:s3+s10], $0x40, s31, s10, $0xb8;
	[tilespmem:$0xD200] =	vst v63  }
0x53: {  	_ =	swait.ge [sflag:s16], $0x2000  }
0x54: {  	[sflag:s16] =	ssyncset.done $0x0  }
0x55: {  	[sflag:s16] =	ssyncadd.s32 $0xFFFFE000  }
0x56: {  	_ =	swait.ge [sflag:s16], $0x2000  }
0x57: {  	[sflag:s16] =	ssyncset.done $0x0  }
0x58: {  	[sflag:s16] =	ssyncadd.s32 $0xFFFFE000  }
0x59: {  	_ =	swait.ge [sflag:s16], $0x2000  }
0x5a: {  	[sflag:s16] =	ssyncset.done $0x0  }
0x5b: {  	[sflag:s16] =	ssyncadd.s32 $0xFFFFE000  }
0x5c: {  	s20 =	smul.u32 $0x280, s20;
	_ =	swait.ge [sflag:s16], $0x2000  }
0x5d: {  	s21 =	simm.s32 @!p0 $0x3;
	[sflag:s16] =	ssyncset.done $0x0  }
0x5e: {  	s18 =	sadd.s32 $0x1, s18;
	s20 =	sadd.s32 s4, s20;
	[sflag:s16] =	ssyncadd.s32 $0xFFFFE000  }
0x5f: {  	s21 =	simm.s32 @p0 $0x2;
	s20 =	sshll.u32 @p0 s20, $0x4;
	_ =	swait.ge [sflag:s16], $0x2000  }
0x60: {  	p1 =	sne.s32 s18, s7;
	s20 =	sadd.s32 @p0 s20, s6;
	[sflag:s16] =	ssyncset.done $0x0  }
.Ltmp1:
0x61: {  	s19 =	smov.u32 @p0 s20;
	[sflag:s16] =	ssyncadd.s32 $0xFFFFE000;
	(pc) =	sbr.rel @p1 .LBB2_1-.Ltmp1, $4  }
0x62: {  	[hbm4b:s19+s17] =	stream.strided.scatter [tilespmem:s11], [sflag:s21], $0xA000, s10, s17, $0x38;
	[tilespmem:$0xD200] =	vst v63  }
0x63: {  	_ =	swait.ge [sflag:s21], $0xA000  }
0x64: {  	[sflag:s21] =	ssyncset.done $0x0  }
0x65: {  	[sflag:s21] =	ssyncadd.s32 $0xFFFF6000  }
0x66: {  	_ =	sfence.sel $0x180000  }
0x67: {  	[bflag:$0x0] =	sbarrier.arrive $0xFFFF  }
0x68: {  	p0 =	sne.s32 s1, $0x0;
	_ =	strace $0x9000004A  }
0x69: {  	s0 =	sadd.s32 @!p0 $0x100000, s0;
	[bflag:$0x2] =	sbarrier.arrive $0xFFFF  }
0x6a: {  	[sflag:s0] =	ssyncadd.tile.s32 @!p0 $0x1;
	_ =	shalt  }
.Lfunc_end2:
_tile_overlayer_lowered:
.L_overlay_start_2:
0x6b: {  	(tag) =	ssettag $0x2  }
0x6c: {  	s0 =	rddreg [dreg:$0x0];
	s2 =	stileid.u32  }
0x6d: {  	s1 =	rddreg [dreg:$0x1];
	p0 =	sne.s32 s2, $0x0  }
0x6e: {  	s3 =	rddreg [dreg:$0x2];
	[bflag:$0x3] =	sbarrier.arrive $0xFFFF;
	s2 =	simm.s32 @!p0 $0x1C02  }
0x6f: {  	[timem:s3], [sflag:s2] =	dma.local @!p0 [hbm:s0], s1  }
0x70: {  	s0 =	simm.s32 @!p0 $0x2  }
0x71: {  	_ =	swait.ge @!p0 [sflag:s0], s1  }
0x72: {  	s1 =	ssub.s32 @!p0 $0x0, s1;
	[sflag:s0] =	ssyncset.done @!p0 $0x0  }
0x73: {  	[sflag:s0] =	ssyncadd.s32 @!p0 s1  }
0x74: {  	[bflag:$0x3] =	sbarrier.arrive $0xFFFF  }
0x75: {  	_ =	shalt  }

</sc_bundles>
